<compile_context>
chip_gen: v7x
topology: tpu7x:2x2x1
jax: 0.10.2.dev20260603
libtpu: 0.0.44.dev20260713+nightly
codegen_flags: <defaults>
</compile_context>

<pallas_src>
import jax
import jax.numpy as jnp
from jax import lax
from jax.experimental import pallas as pl
from jax.experimental.pallas import tpu as pltpu
from jax.experimental.pallas import tpu_sc as plsc

NC = 2
NS = 16
NW = NC * NS
L = 16

B = 4096
D = 64
HIST = 50
PB = B // NW
CH = 128
NCH = PB * HIST // CH


def _wid():
    return lax.axis_index("s") * NC + lax.axis_index("c")


def _implicit_body(fb_flat, ew_t, uw_in, uf_o,
                   idx0, uw_v, uf_v, r0, s0):
    base = pl.multiple_of(_wid() * PB, PB)
    fb_base = pl.multiple_of(_wid() * (PB * HIST), PB * HIST)

    zero = jnp.zeros((L,), jnp.float32)

    @pl.loop(0, PB)
    def zbody(r):
        for k in range(D // L):
            uf_v[r, pl.ds(k * L, L)] = zero

    @pl.loop(0, NCH)
    def cbody(c):
        pltpu.sync_copy(fb_flat.at[pl.ds(fb_base + c * CH, CH)], idx0)
        d = pltpu.async_copy(ew_t.at[idx0], r0, s0)
        d.wait()

        @pl.loop(0, CH)
        def abody(b):
            t = (c * CH + b) // HIST
            for k in range(D // L):
                v = r0[b, pl.ds(k * L, L)]
                plsc.addupdate(uf_v.at[t, pl.ds(k * L, L)], v)

    pltpu.sync_copy(uw_in.at[pl.ds(base, PB)], uw_v)
    inv = jnp.float32(1.0 / HIST)

    @pl.loop(0, PB)
    def fbody(r):
        for k in range(D // L):
            sl = pl.ds(k * L, L)
            uf_v[r, sl] = uw_v[r, sl] + uf_v[r, sl] * inv

    pltpu.sync_copy(uf_v, uf_o.at[pl.ds(base, PB)])


def _mm_body(uf_ref, iw_ref, bias_ref, o_ref):
    acc = lax.dot_general(uf_ref[...], iw_ref[...],
                          (((1,), (1,)), ((), ())),
                          preferred_element_type=jnp.float32)
    x = acc + bias_ref[0]
    o_ref[...] = 1.0 / (1.0 + jnp.exp(-x))


def kernel(user_ids, item_ids, user_weight, item_weight,
           item_rating_effect_weight, bias, fb_indices):
    mesh = plsc.VectorSubcoreMesh(core_axis_name="c", subcore_axis_name="s",
                                  num_cores=NC, num_subcores=NS)
    sc_params = pltpu.CompilerParams(use_tc_tiling_on_sc=False)

    uw = jnp.take(user_weight, user_ids, axis=0)
    iw = jnp.take(item_weight, item_ids, axis=0)
    batch_fb = jnp.take(fb_indices, user_ids, axis=0)

    implicit = pl.kernel(
        _implicit_body,
        compiler_params=sc_params,
        out_type=jax.ShapeDtypeStruct((B, D), jnp.float32),
        mesh=mesh,
        scratch_types=[
            pltpu.VMEM((CH,), jnp.int32),
            pltpu.VMEM((PB, D), jnp.float32),
            pltpu.VMEM((PB, D), jnp.float32),
            pltpu.VMEM((CH, D), jnp.float32),
            pltpu.SemaphoreType.DMA,
        ],
    )
    uf = implicit(batch_fb.reshape(-1), item_rating_effect_weight, uw)

    bm = 256
    out = pl.pallas_call(
        _mm_body,
        grid=(B // bm,),
        in_specs=[
            pl.BlockSpec((bm, D), lambda i: (i, 0)),
            pl.BlockSpec((B, D), lambda i: (0, 0)),
            pl.BlockSpec(memory_space=pltpu.SMEM),
        ],
        out_specs=pl.BlockSpec((bm, B), lambda i: (i, 0)),
        out_shape=jax.ShapeDtypeStruct((B, B), jnp.float32),
    )(uf, iw, bias)
    return out

# --- scband reference (transcript-rebuilt; emitter-appended) ---
"""Pipeline reference for scband-constrained-probability-matrix-factorization-50629074485798 (READ-ONLY COPY).

The authoritative reference and input builder live on the scoring server;
editing this copy changes nothing except your own understanding.
"""

import jax, jax.numpy as jnp
import numpy as np

N_USERS = 100000
N_ITEMS = 100000
D = 64
HIST = 50
B = 4096


def setup_inputs(seed: int = 0) -> dict:
    key = jax.random.key(seed)
    k1, k2, k3, k4, k5, k6 = jax.random.split(key, 6)
    user_ids = jax.random.randint(k1, (B,), 0, N_USERS, dtype=jnp.int64 if jax.config.jax_enable_x64 else jnp.int32)
    item_ids = jax.random.randint(k2, (B,), 0, N_ITEMS, dtype=jnp.int64 if jax.config.jax_enable_x64 else jnp.int32)
    # xavier_normal_: std = sqrt(2 / (fan_in + fan_out))
    std_u = (2.0 / (N_USERS + D)) ** 0.5
    std_i = (2.0 / (N_ITEMS + D)) ** 0.5
    user_weight = jax.random.normal(k3, (N_USERS, D), dtype=jnp.float32) * std_u
    item_weight = jax.random.normal(k4, (N_ITEMS, D), dtype=jnp.float32) * std_i
    item_rating_effect_weight = jax.random.normal(k5, (N_ITEMS, D), dtype=jnp.float32) * std_i
    bias = jnp.zeros((1,), dtype=jnp.float32)
    # implicit feedback: fixed-degree sparse binary matrix [N_USERS, N_ITEMS]
    # represented as HIST item indices per user (all values = 1.0)
    fb_indices = jax.random.randint(k6, (N_USERS, HIST), 0, N_ITEMS)
    return {
        "user_ids": user_ids,
        "item_ids": item_ids,
        "user_weight": user_weight,
        "item_weight": item_weight,
        "item_rating_effect_weight": item_rating_effect_weight,
        "bias": bias,
        "fb_indices": fb_indices,
    }


def reference(user_ids, item_ids, user_weight, item_weight, item_rating_effect_weight, bias, fb_indices):
    # embedding gathers
    uw = jnp.take(user_weight, user_ids, axis=0)          # [B, D]
    iw = jnp.take(item_weight, item_ids, axis=0)          # [B, D]
    # implicit_feedback[user_ids] @ item_rating_effect_weight
    batch_fb = jnp.take(fb_indices, user_ids, axis=0)      # [B, HIST]
    implicit = jnp.take(item_rating_effect_weight, batch_fb, axis=0).sum(axis=1)  # [B, D]
    # implicit_feedback_norm[user_ids]: row sums of binary feedback = HIST
    norm = jnp.full((uw.shape[0], 1), float(HIST), dtype=jnp.float32)
    user_factors = uw + implicit / norm
    rating = user_factors @ iw.T + bias                    # [B, B]
    return jax.nn.sigmoid(rating)

if __name__ == "__main__":
    import jax
    _d = setup_inputs()
    print(jax.jit(kernel)(*tuple(_d.values())))

</pallas_src>

<mosaic_0001>
#map = affine_map<(d0, d1) -> (0)>
#map1 = affine_map<(d0, d1) -> (0, 0)>
module attributes {stable_mosaic.version = 14 : i64} {
  func.func @_implicit_body(%arg0: i32, %arg1: i32, %arg2: memref<204800xi32, #tpu.memory_space<hbm>>, %arg3: memref<100000x64xf32, #tpu.memory_space<hbm>>, %arg4: memref<4096x64xf32, #tpu.memory_space<hbm>>, %arg5: memref<4096x64xf32, #tpu.memory_space<hbm>>, %arg6: memref<128xi32, #tpu.memory_space<vmem>>, %arg7: memref<128x64xf32, #tpu.memory_space<vmem>>, %arg8: memref<128x64xf32, #tpu.memory_space<vmem>>, %arg9: memref<128x64xf32, #tpu.memory_space<vmem>>, %arg10: memref<!tpu.dma_semaphore, #tpu.memory_space<semaphore_mem>>) attributes {dimension_semantics = [#tpu.dimension_semantics<core_parallel>, #tpu.dimension_semantics<subcore_parallel>], iteration_bounds = array<i64: 2, 16>, scalar_prefetch = 0 : i64, scratch_operands = 5 : i64, tpu.core_type = #tpu.core_type<sc_vector_subcore>, window_params = [{transform_indices = #map}, {transform_indices = #map1}, {transform_indices = #map1}, {transform_indices = #map1}]} {
    %mul3A = arith.constant 2 : i32
    %mul3A_0 = arith.muli %arg1, %mul3A : i32
    %add3A = arith.addi %mul3A_0, %arg0 : i32
    %mul3A_1 = arith.constant 128 : i32
    %mul3A_2 = arith.muli %add3A, %mul3A_1 : i32
    %multiple_of3A = tpu.assume_multiple %mul3A_2, 128 : i32
    %mul3A_3 = arith.constant 2 : i32
    %mul3A_4 = arith.muli %arg1, %mul3A_3 : i32
    %add3A_5 = arith.addi %mul3A_4, %arg0 : i32
    %mul3A_6 = arith.constant 6400 : i32
    %mul3A_7 = arith.muli %add3A_5, %mul3A_6 : i32
    %multiple_of3A_8 = tpu.assume_multiple %mul3A_7, 6400 : i32
    %broadcast_in_dim3A = arith.constant 0.000000e+00 : f32
    %broadcast_in_dim3A_9 = vector.broadcast %broadcast_in_dim3A : f32 to vector<16xf32>
    %scan3A = arith.constant 0 : i32
    %scan3A_10 = arith.constant 128 : i32
    %scan3A_11 = arith.addi %scan3A, %scan3A_10 : i32
    %scan3A_12 = arith.constant 1 : i32
    scf.for %scan3A_25 = %scan3A to %scan3A_11 step %scan3A_12  : i32 {
      %mul3A_26 = arith.constant 1 : i32
      %mul3A_27 = arith.muli %scan3A_25, %mul3A_26 : i32
      %add3A_28 = arith.constant 0 : i32
      %add3A_29 = arith.addi %add3A_28, %mul3A_27 : i32
      %swap3A = arith.index_cast %add3A_29 : i32 to index
      %swap3A_30 = arith.constant 0 : index
      %swap3A_31 = tpu.vector_load %arg8[%swap3A, %swap3A_30] {strides = array<i32>} : memref<128x64xf32, #tpu.memory_space<vmem>>, vector<1x16xf32>,
      %swap3A_32 = vector.shape_cast %swap3A_31 : vector<1x16xf32> to vector<16xf32>
      %swap3A_33 = vector.shape_cast %broadcast_in_dim3A_9 : vector<16xf32> to vector<1x16xf32>
      tpu.vector_store %arg8[%swap3A, %swap3A_30], %swap3A_33 {strides = array<i32>} : memref<128x64xf32, #tpu.memory_space<vmem>>, vector<1x16xf32>,
      %swap3A_34 = arith.index_cast %add3A_29 : i32 to index
      %swap3A_35 = arith.constant 16 : index
      %swap3A_36 = tpu.vector_load %arg8[%swap3A_34, %swap3A_35] {strides = array<i32>} : memref<128x64xf32, #tpu.memory_space<vmem>>, vector<1x16xf32>,
      %swap3A_37 = vector.shape_cast %swap3A_36 : vector<1x16xf32> to vector<16xf32>
      %swap3A_38 = vector.shape_cast %broadcast_in_dim3A_9 : vector<16xf32> to vector<1x16xf32>
      tpu.vector_store %arg8[%swap3A_34, %swap3A_35], %swap3A_38 {strides = array<i32>} : memref<128x64xf32, #tpu.memory_space<vmem>>, vector<1x16xf32>,
      %swap3A_39 = arith.index_cast %add3A_29 : i32 to index
      %swap3A_40 = arith.constant 32 : index
      %swap3A_41 = tpu.vector_load %arg8[%swap3A_39, %swap3A_40] {strides = array<i32>} : memref<128x64xf32, #tpu.memory_space<vmem>>, vector<1x16xf32>,
      %swap3A_42 = vector.shape_cast %swap3A_41 : vector<1x16xf32> to vector<16xf32>
      %swap3A_43 = vector.shape_cast %broadcast_in_dim3A_9 : vector<16xf32> to vector<1x16xf32>
      tpu.vector_store %arg8[%swap3A_39, %swap3A_40], %swap3A_43 {strides = array<i32>} : memref<128x64xf32, #tpu.memory_space<vmem>>, vector<1x16xf32>,
      %swap3A_44 = arith.index_cast %add3A_29 : i32 to index
      %swap3A_45 = arith.constant 48 : index
      %swap3A_46 = tpu.vector_load %arg8[%swap3A_44, %swap3A_45] {strides = array<i32>} : memref<128x64xf32, #tpu.memory_space<vmem>>, vector<1x16xf32>,
      %swap3A_47 = vector.shape_cast %swap3A_46 : vector<1x16xf32> to vector<16xf32>
      %swap3A_48 = vector.shape_cast %broadcast_in_dim3A_9 : vector<16xf32> to vector<1x16xf32>
      tpu.vector_store %arg8[%swap3A_44, %swap3A_45], %swap3A_48 {strides = array<i32>} : memref<128x64xf32, #tpu.memory_space<vmem>>, vector<1x16xf32>,
    }
    %scan3A_13 = arith.constant 128 : i32
    %scan3A_14 = arith.constant 0 : i32
    %scan3A_15 = arith.constant 50 : i32
    %scan3A_16 = arith.addi %scan3A_14, %scan3A_15 : i32
    %scan3A_17 = arith.constant 1 : i32
    scf.for %scan3A_25 = %scan3A_14 to %scan3A_16 step %scan3A_17  : i32 {
      %mul3A_26 = arith.constant 1 : i32
      %mul3A_27 = arith.muli %scan3A_25, %mul3A_26 : i32
      %add3A_28 = arith.constant 0 : i32
      %add3A_29 = arith.addi %add3A_28, %mul3A_27 : i32
      %mul3A_30 = arith.constant 128 : i32
      %mul3A_31 = arith.muli %add3A_29, %mul3A_30 : i32
      %add3A_32 = arith.addi %multiple_of3A_8, %mul3A_31 : i32
      "tpu.region"() ({
        %run_scoped3A = tpu.sem_alloc : memref<!tpu.dma_semaphore, #tpu.memory_space<semaphore_mem>>
        %dma_start3A_42 = tpu.memref_slice %arg2[%add3A_32] : memref<204800xi32, #tpu.memory_space<hbm>> -> memref<128xi32, #tpu.memory_space<hbm>>
        %dma_start3A_43 = tpu.memref_slice %arg2[%add3A_32] : memref<204800xi32, #tpu.memory_space<hbm>> -> memref<128xi32, #tpu.memory_space<hbm>>
        tpu.enqueue_dma source(%dma_start3A_43 : memref<128xi32, #tpu.memory_space<hbm>>) target(%arg6 : memref<128xi32, #tpu.memory_space<vmem>>) target_semaphore(%run_scoped3A : memref<!tpu.dma_semaphore, #tpu.memory_space<semaphore_mem>>)
        %dma_wait3A_44 = tpu.memref_slice %arg2[%add3A_32] : memref<204800xi32, #tpu.memory_space<hbm>> -> memref<128xi32, #tpu.memory_space<hbm>>
        %dma_wait3A_45 = tpu.memref_slice %arg2[%add3A_32] : memref<204800xi32, #tpu.memory_space<hbm>> -> memref<128xi32, #tpu.memory_space<hbm>>
        tpu.wait_dma2 semaphore(%run_scoped3A : memref<!tpu.dma_semaphore, #tpu.memory_space<semaphore_mem>>) src(%dma_wait3A_45 : memref<128xi32, #tpu.memory_space<hbm>>) dst(%arg6 : memref<128xi32, #tpu.memory_space<vmem>>)
        tpu.yield
      }) : () -> ()
      %dma_start3A = arith.constant 0 : i32
      %dma_start3A_33 = arith.constant 0 : i32
      %dma_start3A_34 = tpu.memref_slice %arg3[%dma_start3A, %dma_start3A_33] : memref<100000x64xf32, #tpu.memory_space<hbm>> -> memref<100000x64xf32, #tpu.memory_space<hbm>>
      tpu.enqueue_indirect_dma source(%dma_start3A_34 : memref<100000x64xf32, #tpu.memory_space<hbm>>) target(%arg9 : memref<128x64xf32, #tpu.memory_space<vmem>>) offsets(%arg6 : memref<128xi32, #tpu.memory_space<vmem>>) semaphore(%arg10 : memref<!tpu.dma_semaphore, #tpu.memory_space<semaphore_mem>>)
      %dma_wait3A = arith.constant 0 : i32
      %dma_wait3A_35 = arith.constant 0 : i32
      %dma_wait3A_36 = tpu.memref_slice %arg3[%dma_wait3A, %dma_wait3A_35] : memref<100000x64xf32, #tpu.memory_space<hbm>> -> memref<100000x64xf32, #tpu.memory_space<hbm>>
      tpu.wait_indirect_dma semaphore(%arg10 : memref<!tpu.dma_semaphore, #tpu.memory_space<semaphore_mem>>) src(%dma_wait3A_36 : memref<100000x64xf32, #tpu.memory_space<hbm>>) dst(%arg9 : memref<128x64xf32, #tpu.memory_space<vmem>>)
      %scan3A_37 = arith.constant 0 : i32
      %scan3A_38 = arith.constant 128 : i32
      %scan3A_39 = arith.addi %scan3A_37, %scan3A_38 : i32
      %scan3A_40 = arith.constant 1 : i32
      scf.for %scan3A_42 = %scan3A_37 to %scan3A_39 step %scan3A_40  : i32 {
        %mul3A_43 = arith.constant 1 : i32
        %mul3A_44 = arith.muli %scan3A_42, %mul3A_43 : i32
        %add3A_45 = arith.constant 0 : i32
        %add3A_46 = arith.addi %add3A_45, %mul3A_44 : i32
        %mul3A_47 = arith.constant 128 : i32
        %mul3A_48 = arith.muli %add3A_29, %mul3A_47 : i32
        %add3A_49 = arith.addi %mul3A_48, %add3A_46 : i32
        %jit3A = arith.constant 50 : i32
        %div3A = arith.divsi %add3A_49, %jit3A : i32
        %sign3A = arith.constant 0 : i32
        %sign3A_50 = arith.cmpi sgt, %add3A_49, %sign3A : i32
        %sign3A_51 = arith.extui %sign3A_50 : i1 to i32
        %sign3A_52 = arith.constant 0 : i32
        %sign3A_53 = arith.cmpi slt, %add3A_49, %sign3A_52 : i32
        %sign3A_54 = arith.extui %sign3A_53 : i1 to i32
        %sign3A_55 = arith.subi %sign3A_51, %sign3A_54 : i32
        %sign3A_56 = arith.constant 0 : i32
        %sign3A_57 = arith.cmpi sgt, %jit3A, %sign3A_56 : i32
        %sign3A_58 = arith.extui %sign3A_57 : i1 to i32
        %sign3A_59 = arith.constant 0 : i32
        %sign3A_60 = arith.cmpi slt, %jit3A, %sign3A_59 : i32
        %sign3A_61 = arith.extui %sign3A_60 : i1 to i32
        %sign3A_62 = arith.subi %sign3A_58, %sign3A_61 : i32
        %ne3A = arith.cmpi ne, %sign3A_55, %sign3A_62 : i32
        %rem3A = arith.remsi %add3A_49, %jit3A : i32
        %ne3A_63 = arith.constant 0 : i32
        %ne3A_64 = arith.cmpi ne, %rem3A, %ne3A_63 : i32
        %and3A = arith.andi %ne3A, %ne3A_64 : i1
        %sub3A = arith.constant 1 : i32
        %sub3A_65 = arith.subi %div3A, %sub3A : i32
        %select_n3A = arith.select %and3A, %sub3A_65, %div3A : i32
        %get3A = arith.index_cast %add3A_46 : i32 to index
        %get3A_66 = arith.constant 0 : index
        %get3A_67 = tpu.vector_load %arg9[%get3A, %get3A_66] {strides = array<i32>} : memref<128x64xf32, #tpu.memory_space<vmem>>, vector<1x16xf32>,
        %get3A_68 = vector.shape_cast %get3A_67 : vector<1x16xf32> to vector<16xf32>
        %swap3A = arith.index_cast %select_n3A : i32 to index
        %swap3A_69 = arith.constant 0 : index
        %swap3A_70 = tpu.vector_load %arg8[%swap3A, %swap3A_69] {strides = array<i32>} : memref<128x64xf32, #tpu.memory_space<vmem>>, vector<1x16xf32>,
        %swap3A_71 = vector.shape_cast %swap3A_70 : vector<1x16xf32> to vector<16xf32>
        %swap3A_72 = vector.shape_cast %get3A_68 : vector<16xf32> to vector<1x16xf32>
        tpu.vector_store %arg8[%swap3A, %swap3A_69], %swap3A_72 {add = true, strides = array<i32>} : memref<128x64xf32, #tpu.memory_space<vmem>>, vector<1x16xf32>,
        %get3A_73 = arith.index_cast %add3A_46 : i32 to index
        %get3A_74 = arith.constant 16 : index
        %get3A_75 = tpu.vector_load %arg9[%get3A_73, %get3A_74] {strides = array<i32>} : memref<128x64xf32, #tpu.memory_space<vmem>>, vector<1x16xf32>,
        %get3A_76 = vector.shape_cast %get3A_75 : vector<1x16xf32> to vector<16xf32>
        %swap3A_77 = arith.index_cast %select_n3A : i32 to index
        %swap3A_78 = arith.constant 16 : index
        %swap3A_79 = tpu.vector_load %arg8[%swap3A_77, %swap3A_78] {strides = array<i32>} : memref<128x64xf32, #tpu.memory_space<vmem>>, vector<1x16xf32>,
        %swap3A_80 = vector.shape_cast %swap3A_79 : vector<1x16xf32> to vector<16xf32>
        %swap3A_81 = vector.shape_cast %get3A_76 : vector<16xf32> to vector<1x16xf32>
        tpu.vector_store %arg8[%swap3A_77, %swap3A_78], %swap3A_81 {add = true, strides = array<i32>} : memref<128x64xf32, #tpu.memory_space<vmem>>, vector<1x16xf32>,
        %get3A_82 = arith.index_cast %add3A_46 : i32 to index
        %get3A_83 = arith.constant 32 : index
        %get3A_84 = tpu.vector_load %arg9[%get3A_82, %get3A_83] {strides = array<i32>} : memref<128x64xf32, #tpu.memory_space<vmem>>, vector<1x16xf32>,
        %get3A_85 = vector.shape_cast %get3A_84 : vector<1x16xf32> to vector<16xf32>
        %swap3A_86 = arith.index_cast %select_n3A : i32 to index
        %swap3A_87 = arith.constant 32 : index
        %swap3A_88 = tpu.vector_load %arg8[%swap3A_86, %swap3A_87] {strides = array<i32>} : memref<128x64xf32, #tpu.memory_space<vmem>>, vector<1x16xf32>,
        %swap3A_89 = vector.shape_cast %swap3A_88 : vector<1x16xf32> to vector<16xf32>
        %swap3A_90 = vector.shape_cast %get3A_85 : vector<16xf32> to vector<1x16xf32>
        tpu.vector_store %arg8[%swap3A_86, %swap3A_87], %swap3A_90 {add = true, strides = array<i32>} : memref<128x64xf32, #tpu.memory_space<vmem>>, vector<1x16xf32>,
        %get3A_91 = arith.index_cast %add3A_46 : i32 to index
        %get3A_92 = arith.constant 48 : index
        %get3A_93 = tpu.vector_load %arg9[%get3A_91, %get3A_92] {strides = array<i32>} : memref<128x64xf32, #tpu.memory_space<vmem>>, vector<1x16xf32>,
        %get3A_94 = vector.shape_cast %get3A_93 : vector<1x16xf32> to vector<16xf32>
        %swap3A_95 = arith.index_cast %select_n3A : i32 to index
        %swap3A_96 = arith.constant 48 : index
        %swap3A_97 = tpu.vector_load %arg8[%swap3A_95, %swap3A_96] {strides = array<i32>} : memref<128x64xf32, #tpu.memory_space<vmem>>, vector<1x16xf32>,
        %swap3A_98 = vector.shape_cast %swap3A_97 : vector<1x16xf32> to vector<16xf32>
        %swap3A_99 = vector.shape_cast %get3A_94 : vector<16xf32> to vector<1x16xf32>
        tpu.vector_store %arg8[%swap3A_95, %swap3A_96], %swap3A_99 {add = true, strides = array<i32>} : memref<128x64xf32, #tpu.memory_space<vmem>>, vector<1x16xf32>,
      }
      %scan3A_41 = arith.constant 128 : i32
    }
    %scan3A_18 = arith.constant 50 : i32
    "tpu.region"() ({
      %run_scoped3A = tpu.sem_alloc : memref<!tpu.dma_semaphore, #tpu.memory_space<semaphore_mem>>
      %dma_start3A = arith.constant 0 : i32
      %dma_start3A_25 = tpu.memref_slice %arg4[%multiple_of3A, %dma_start3A] : memref<4096x64xf32, #tpu.memory_space<hbm>> -> memref<128x64xf32, #tpu.memory_space<hbm>>
      %dma_start3A_26 = arith.constant 0 : i32
      %dma_start3A_27 = tpu.memref_slice %arg4[%multiple_of3A, %dma_start3A_26] : memref<4096x64xf32, #tpu.memory_space<hbm>> -> memref<128x64xf32, #tpu.memory_space<hbm>>
      tpu.enqueue_dma source(%dma_start3A_27 : memref<128x64xf32, #tpu.memory_space<hbm>>) target(%arg7 : memref<128x64xf32, #tpu.memory_space<vmem>>) target_semaphore(%run_scoped3A : memref<!tpu.dma_semaphore, #tpu.memory_space<semaphore_mem>>)
      %dma_wait3A = arith.constant 0 : i32
      %dma_wait3A_28 = tpu.memref_slice %arg4[%multiple_of3A, %dma_wait3A] : memref<4096x64xf32, #tpu.memory_space<hbm>> -> memref<128x64xf32, #tpu.memory_space<hbm>>
      %dma_wait3A_29 = arith.constant 0 : i32
      %dma_wait3A_30 = tpu.memref_slice %arg4[%multiple_of3A, %dma_wait3A_29] : memref<4096x64xf32, #tpu.memory_space<hbm>> -> memref<128x64xf32, #tpu.memory_space<hbm>>
      tpu.wait_dma2 semaphore(%run_scoped3A : memref<!tpu.dma_semaphore, #tpu.memory_space<semaphore_mem>>) src(%dma_wait3A_30 : memref<128x64xf32, #tpu.memory_space<hbm>>) dst(%arg7 : memref<128x64xf32, #tpu.memory_space<vmem>>)
      tpu.yield
    }) : () -> ()
    %scan3A_19 = arith.constant 2.000000e-02 : f32
    %scan3A_20 = arith.constant 0 : i32
    %scan3A_21 = arith.constant 128 : i32
    %scan3A_22 = arith.addi %scan3A_20, %scan3A_21 : i32
    %scan3A_23 = arith.constant 1 : i32
    scf.for %scan3A_25 = %scan3A_20 to %scan3A_22 step %scan3A_23  : i32 {
      %mul3A_26 = arith.constant 1 : i32
      %mul3A_27 = arith.muli %scan3A_25, %mul3A_26 : i32
      %add3A_28 = arith.constant 0 : i32
      %add3A_29 = arith.addi %add3A_28, %mul3A_27 : i32
      %get3A = arith.index_cast %add3A_29 : i32 to index
      %get3A_30 = arith.constant 0 : index
      %get3A_31 = tpu.vector_load %arg7[%get3A, %get3A_30] {strides = array<i32>} : memref<128x64xf32, #tpu.memory_space<vmem>>, vector<1x16xf32>,
      %get3A_32 = vector.shape_cast %get3A_31 : vector<1x16xf32> to vector<16xf32>
      %get3A_33 = arith.index_cast %add3A_29 : i32 to index
      %get3A_34 = arith.constant 0 : index
      %get3A_35 = tpu.vector_load %arg8[%get3A_33, %get3A_34] {strides = array<i32>} : memref<128x64xf32, #tpu.memory_space<vmem>>, vector<1x16xf32>,
      %get3A_36 = vector.shape_cast %get3A_35 : vector<1x16xf32> to vector<16xf32>
      %mul3A_37 = vector.broadcast %scan3A_19 : f32 to vector<16xf32>
      %mul3A_38 = arith.mulf %get3A_36, %mul3A_37 : vector<16xf32>
      %add3A_39 = arith.addf %get3A_32, %mul3A_38 : vector<16xf32>
      %swap3A = arith.index_cast %add3A_29 : i32 to index
      %swap3A_40 = arith.constant 0 : index
      %swap3A_41 = tpu.vector_load %arg8[%swap3A, %swap3A_40] {strides = array<i32>} : memref<128x64xf32, #tpu.memory_space<vmem>>, vector<1x16xf32>,
      %swap3A_42 = vector.shape_cast %swap3A_41 : vector<1x16xf32> to vector<16xf32>
      %swap3A_43 = vector.shape_cast %add3A_39 : vector<16xf32> to vector<1x16xf32>
      tpu.vector_store %arg8[%swap3A, %swap3A_40], %swap3A_43 {strides = array<i32>} : memref<128x64xf32, #tpu.memory_space<vmem>>, vector<1x16xf32>,
      %get3A_44 = arith.index_cast %add3A_29 : i32 to index
      %get3A_45 = arith.constant 16 : index
      %get3A_46 = tpu.vector_load %arg7[%get3A_44, %get3A_45] {strides = array<i32>} : memref<128x64xf32, #tpu.memory_space<vmem>>, vector<1x16xf32>,
      %get3A_47 = vector.shape_cast %get3A_46 : vector<1x16xf32> to vector<16xf32>
      %get3A_48 = arith.index_cast %add3A_29 : i32 to index
      %get3A_49 = arith.constant 16 : index
      %get3A_50 = tpu.vector_load %arg8[%get3A_48, %get3A_49] {strides = array<i32>} : memref<128x64xf32, #tpu.memory_space<vmem>>, vector<1x16xf32>,
      %get3A_51 = vector.shape_cast %get3A_50 : vector<1x16xf32> to vector<16xf32>
      %mul3A_52 = vector.broadcast %scan3A_19 : f32 to vector<16xf32>
      %mul3A_53 = arith.mulf %get3A_51, %mul3A_52 : vector<16xf32>
      %add3A_54 = arith.addf %get3A_47, %mul3A_53 : vector<16xf32>
      %swap3A_55 = arith.index_cast %add3A_29 : i32 to index
      %swap3A_56 = arith.constant 16 : index
      %swap3A_57 = tpu.vector_load %arg8[%swap3A_55, %swap3A_56] {strides = array<i32>} : memref<128x64xf32, #tpu.memory_space<vmem>>, vector<1x16xf32>,
      %swap3A_58 = vector.shape_cast %swap3A_57 : vector<1x16xf32> to vector<16xf32>
      %swap3A_59 = vector.shape_cast %add3A_54 : vector<16xf32> to vector<1x16xf32>
      tpu.vector_store %arg8[%swap3A_55, %swap3A_56], %swap3A_59 {strides = array<i32>} : memref<128x64xf32, #tpu.memory_space<vmem>>, vector<1x16xf32>,
      %get3A_60 = arith.index_cast %add3A_29 : i32 to index
      %get3A_61 = arith.constant 32 : index
      %get3A_62 = tpu.vector_load %arg7[%get3A_60, %get3A_61] {strides = array<i32>} : memref<128x64xf32, #tpu.memory_space<vmem>>, vector<1x16xf32>,
      %get3A_63 = vector.shape_cast %get3A_62 : vector<1x16xf32> to vector<16xf32>
      %get3A_64 = arith.index_cast %add3A_29 : i32 to index
      %get3A_65 = arith.constant 32 : index
      %get3A_66 = tpu.vector_load %arg8[%get3A_64, %get3A_65] {strides = array<i32>} : memref<128x64xf32, #tpu.memory_space<vmem>>, vector<1x16xf32>,
      %get3A_67 = vector.shape_cast %get3A_66 : vector<1x16xf32> to vector<16xf32>
      %mul3A_68 = vector.broadcast %scan3A_19 : f32 to vector<16xf32>
      %mul3A_69 = arith.mulf %get3A_67, %mul3A_68 : vector<16xf32>
      %add3A_70 = arith.addf %get3A_63, %mul3A_69 : vector<16xf32>
      %swap3A_71 = arith.index_cast %add3A_29 : i32 to index
      %swap3A_72 = arith.constant 32 : index
      %swap3A_73 = tpu.vector_load %arg8[%swap3A_71, %swap3A_72] {strides = array<i32>} : memref<128x64xf32, #tpu.memory_space<vmem>>, vector<1x16xf32>,
      %swap3A_74 = vector.shape_cast %swap3A_73 : vector<1x16xf32> to vector<16xf32>
      %swap3A_75 = vector.shape_cast %add3A_70 : vector<16xf32> to vector<1x16xf32>
      tpu.vector_store %arg8[%swap3A_71, %swap3A_72], %swap3A_75 {strides = array<i32>} : memref<128x64xf32, #tpu.memory_space<vmem>>, vector<1x16xf32>,
      %get3A_76 = arith.index_cast %add3A_29 : i32 to index
      %get3A_77 = arith.constant 48 : index
      %get3A_78 = tpu.vector_load %arg7[%get3A_76, %get3A_77] {strides = array<i32>} : memref<128x64xf32, #tpu.memory_space<vmem>>, vector<1x16xf32>,
      %get3A_79 = vector.shape_cast %get3A_78 : vector<1x16xf32> to vector<16xf32>
      %get3A_80 = arith.index_cast %add3A_29 : i32 to index
      %get3A_81 = arith.constant 48 : index
      %get3A_82 = tpu.vector_load %arg8[%get3A_80, %get3A_81] {strides = array<i32>} : memref<128x64xf32, #tpu.memory_space<vmem>>, vector<1x16xf32>,
      %get3A_83 = vector.shape_cast %get3A_82 : vector<1x16xf32> to vector<16xf32>
      %mul3A_84 = vector.broadcast %scan3A_19 : f32 to vector<16xf32>
      %mul3A_85 = arith.mulf %get3A_83, %mul3A_84 : vector<16xf32>
      %add3A_86 = arith.addf %get3A_79, %mul3A_85 : vector<16xf32>
      %swap3A_87 = arith.index_cast %add3A_29 : i32 to index
      %swap3A_88 = arith.constant 48 : index
      %swap3A_89 = tpu.vector_load %arg8[%swap3A_87, %swap3A_88] {strides = array<i32>} : memref<128x64xf32, #tpu.memory_space<vmem>>, vector<1x16xf32>,
      %swap3A_90 = vector.shape_cast %swap3A_89 : vector<1x16xf32> to vector<16xf32>
      %swap3A_91 = vector.shape_cast %add3A_86 : vector<16xf32> to vector<1x16xf32>
      tpu.vector_store %arg8[%swap3A_87, %swap3A_88], %swap3A_91 {strides = array<i32>} : memref<128x64xf32, #tpu.memory_space<vmem>>, vector<1x16xf32>,
    }
    %scan3A_24 = arith.constant 128 : i32
    "tpu.region"() ({
      %run_scoped3A = tpu.sem_alloc : memref<!tpu.dma_semaphore, #tpu.memory_space<semaphore_mem>>
      %dma_start3A = arith.constant 0 : i32
      %dma_start3A_25 = tpu.memref_slice %arg5[%multiple_of3A, %dma_start3A] : memref<4096x64xf32, #tpu.memory_space<hbm>> -> memref<128x64xf32, #tpu.memory_space<hbm>>
      %dma_start3A_26 = arith.constant 0 : i32
      %dma_start3A_27 = tpu.memref_slice %arg5[%multiple_of3A, %dma_start3A_26] : memref<4096x64xf32, #tpu.memory_space<hbm>> -> memref<128x64xf32, #tpu.memory_space<hbm>>
      tpu.enqueue_dma source(%arg8 : memref<128x64xf32, #tpu.memory_space<vmem>>) target(%dma_start3A_27 : memref<128x64xf32, #tpu.memory_space<hbm>>) target_semaphore(%run_scoped3A : memref<!tpu.dma_semaphore, #tpu.memory_space<semaphore_mem>>)
      %dma_wait3A = arith.constant 0 : i32
      %dma_wait3A_28 = tpu.memref_slice %arg5[%multiple_of3A, %dma_wait3A] : memref<4096x64xf32, #tpu.memory_space<hbm>> -> memref<128x64xf32, #tpu.memory_space<hbm>>
      %dma_wait3A_29 = arith.constant 0 : i32
      %dma_wait3A_30 = tpu.memref_slice %arg5[%multiple_of3A, %dma_wait3A_29] : memref<4096x64xf32, #tpu.memory_space<hbm>> -> memref<128x64xf32, #tpu.memory_space<hbm>>
      tpu.wait_dma2 semaphore(%run_scoped3A : memref<!tpu.dma_semaphore, #tpu.memory_space<semaphore_mem>>) src(%arg8 : memref<128x64xf32, #tpu.memory_space<vmem>>) dst(%dma_wait3A_30 : memref<128x64xf32, #tpu.memory_space<hbm>>)
      tpu.yield
    }) : () -> ()
    return
  }
}

module attributes {stable_mosaic.version = 14 : i64} {
  func.func @_mm_body(%arg0: i32, %arg1: memref<256x64xf32, #tpu.memory_space<vmem>>, %arg2: memref<4096x64xf32, #tpu.memory_space<vmem>>, %arg3: memref<1xf32, #tpu.memory_space<smem>>, %arg4: memref<256x4096xf32, #tpu.memory_space<vmem>>) attributes {dimension_semantics = [#tpu.dimension_semantics<arbitrary>], iteration_bounds = array<i64: 16>, scalar_prefetch = 0 : i64, scratch_operands = 0 : i64, tpu.core_type = #tpu.core_type<tc>, window_params = [{transform_indices = @transform_0, window_bounds = array<i64: 256, 64>}, {pipeline_mode = #tpu.pipeline_mode<synchronous>, transform_indices = @transform_1, window_bounds = array<i64: 4096, 64>}, {transform_indices = @transform_2, window_bounds = array<i64: 1>}, {transform_indices = @transform_3, window_bounds = array<i64: 256, 4096>}]} {
    %get3A = arith.constant 0 : index
    %get3A_0 = arith.constant 0 : index
    %get3A_1 = vector.load %arg1[%get3A, %get3A_0] : memref<256x64xf32, #tpu.memory_space<vmem>>, vector<256x64xf32>
    %get3A_2 = arith.constant 0 : index
    %get3A_3 = arith.constant 0 : index
    %get3A_4 = vector.load %arg2[%get3A_2, %get3A_3] : memref<4096x64xf32, #tpu.memory_space<vmem>>, vector<4096x64xf32>
    %dot_general3A = arith.constant dense<0.000000e+00> : vector<256x4096xf32>
    %dot_general3A_5 = tpu.matmul %get3A_1, %get3A_4, %dot_general3A {dimension_numbers = #tpu.dot_dimension_numbers<[1], [1], [0], [0], [0, 0, 1, 0], [], []>, transpose_lhs_hint = false} : vector<256x64xf32>, vector<4096x64xf32>, vector<256x4096xf32> -> vector<256x4096xf32>
    %get3A_6 = arith.constant 0 : index
    %get3A_7 = memref.load %arg3[%get3A_6] : memref<1xf32, #tpu.memory_space<smem>>
    %add3A = vector.broadcast %get3A_7 : f32 to vector<256x4096xf32>
    %add3A_8 = arith.addf %dot_general3A_5, %add3A : vector<256x4096xf32>
    %neg3A = arith.constant 0.000000e+00 : f32
    %neg3A_9 = vector.broadcast %neg3A : f32 to vector<256x4096xf32>
    %neg3A_10 = arith.subf %neg3A_9, %add3A_8 : vector<256x4096xf32>
    %exp3A = math.exp %neg3A_10 : vector<256x4096xf32>
    %add3A_11 = arith.constant 1.000000e+00 : f32
    %add3A_12 = vector.broadcast %add3A_11 : f32 to vector<256x4096xf32>
    %add3A_13 = arith.addf %add3A_12, %exp3A : vector<256x4096xf32>
    %div3A = arith.constant 1.000000e+00 : f32
    %div3A_14 = vector.broadcast %div3A : f32 to vector<256x4096xf32>
    %div3A_15 = arith.divf %div3A_14, %add3A_13 : vector<256x4096xf32>
    %swap3A = arith.constant 0 : index
    %swap3A_16 = arith.constant 0 : index
    %swap3A_17 = vector.load %arg4[%swap3A, %swap3A_16] : memref<256x4096xf32, #tpu.memory_space<vmem>>, vector<256x4096xf32>
    tpu.vector_store %arg4[%swap3A, %swap3A_16], %div3A_15 {strides = array<i32>} : memref<256x4096xf32, #tpu.memory_space<vmem>>, vector<256x4096xf32>,
    return
  }
  func.func @transform_0(%arg0: i32) -> (i32, i32) {
    %c0_i32 = arith.constant 0 : i32
    %c0_i32_0 = arith.constant 0 : i32
    return %arg0, %c0_i32 : i32, i32
  }
  func.func @transform_1(%arg0: i32) -> (i32, i32) {
    %c0_i32 = arith.constant 0 : i32
    %c0_i32_0 = arith.constant 0 : i32
    %c0_i32_1 = arith.constant 0 : i32
    return %c0_i32, %c0_i32_0 : i32, i32
  }
  func.func @transform_2(%arg0: i32) -> i32 {
    %c0_i32 = arith.constant 0 : i32
    %c0_i32_0 = arith.constant 0 : i32
    return %c0_i32 : i32
  }
  func.func @transform_3(%arg0: i32) -> (i32, i32) {
    %c0_i32 = arith.constant 0 : i32
    %c0_i32_0 = arith.constant 0 : i32
    return %arg0, %c0_i32 : i32, i32
  }
}

</mosaic_0001>

<sc_bundles>
// kernel: gather_offload_async_start.1
scs
__scs_entry_jumppad:
0x0: {  	(pc) =	sbr.rel $0x88, $3  }
0x1: {  	(tag) =	ssettag $0x0;
	lr =	simm.s32 $0x1  }
0x2: {  	[smem:$0x3F9A] =	sst lr;
	_ =	strace $0xD0000000  }
0x3: {  	_ = 	snop  }
0x4: {  	_ = 	snop  }
0x5: {  	_ = 	snop  }
0x6: {  	_ = 	snop  }
0x7: {  	_ = 	snop  }
__scs_overlays_trampoline_lowered:
0x8: {  	[smem:$0x3FA9] =	sst s0  }
0x9: {  	[smem:$0x3FAA] =	sst s1  }
0xa: {  	[smem:$0x3FAB] =	sst s2  }
0xb: {  	[smem:$0x3FAC] =	sst s3  }
0xc: {  	[smem:$0x3FAD] =	sst s4  }
0xd: {  	[smem:$0x3FAE] =	sst s5  }
0xe: {  	[smem:$0x3FAF] =	sst s6  }
0xf: {  	[smem:$0x3FB0] =	sst s7  }
0x10: {  	[smem:$0x3FB1] =	sst s8  }
0x11: {  	[smem:$0x3FB2] =	sst s9;
	s0 =	simm.s32 @!p0 $0x0  }
0x12: {  	s1 =	sld [smem:$0x3F98];
	s0 =	simm.s32 @p0 $0x1  }
0x13: {  	[smem:$0x3FB3] =	sst s0;
	s0 =	simm.s32 @!p1 $0x0  }
0x14: {  	s2 =	sld [smem:$0x3F97];
	s0 =	simm.s32 @p1 $0x1  }
0x15: {  	[smem:$0x3FB4] =	sst s0;
	s0 =	simm.s32 @!p2 $0x0  }
0x16: {  	s3 =	sld [smem:$0x3FDB];
	s0 =	simm.s32 @p2 $0x1  }
0x17: {  	s4 =	simm.s32 $0x1BF5;
	[smem:$0x3FB6] =	sst s0  }
0x18: {  	s0 =	sld [smem:$0x3F99];
	_ =	swait.ge [sflag:s4], $0x0  }
0x19: {  	s7 =	sld [smem:$0x3F9A]  }
0x1a: {  	s8 =	sadd.s32 $0xFFFFE003, lr  }
0x1b: {  	s9 =	sadd.s32 $0xFFFFFEF7, lr;
	s5 =	simm.s32 $0xFFFFFFFF;
	p2 =	slt.u32 s8, $0xFFFFF086  }
0x1c: {  	p1 =	slt.u32 s9, $0xF7A;
	s5 =	simm.s32 @!p2 $0x0  }
0x1d: {  	s5 =	simm.s32 @p1 $0x1;
	p0 =	seq.s32 s7, s2  }
0x1e: {  	s7 =	smul.u32 @!p0 $0xF7A, s2;
	p2 =	seq.s32 @!p0 s5, $0x0  }
0x1f: {  	s9 =	smul.u32 $0xF7A, s1;
	s8 =	simm.s32 @!p0 $0x1BF5;
	p2 =	por !p2, p0  }
0x20: {  	[sflag:s8] =	ssyncset.s32 @!p0 $0xFFFFF086;
	s6 =	sadd.s32 @!p0 s3, s7;
	s7 =	simm.s32 @!p0 $0x108  }
0x21: {  	s3 =	sadd.s32 s3, s9;
	s6 =	sadd.s32 @!p0 $0x88, s6;
	s7 =	simm.s32 @p2 $0x1082  }
0x22: {  	[simem:s7], [sflag:s8] =	dma.local @!p0 [hbm:s6], $0xF7A  }
0x23: {  	s9 =	sor.u32 $0xD0000000, s2;
	s6 =	simm.s32 $0x108;
	_ =	swait.ge @!p0 [sflag:s8], $0x0  }
0x24: {  	s3 =	sadd.s32 $0x88, s3;
	s6 =	simm.s32 @!p1 $0x1082;
	[sflag:s4] =	ssyncset.s32 $0xFFFFF086  }
0x25: {  	[simem:s6], [sflag:s4] =	dma.local [hbm:s3], $0xF7A  }
0x26: {  	[smem:$0x3F9A] =	sst s1;
	(tag) =	ssettag s2;
	_ =	strace s9  }
0x27: {  	s1 =	sld [smem:$0x3FAA]  }
0x28: {  	s2 =	sld [smem:$0x3FAB]  }
0x29: {  	s4 =	sld [smem:$0x3FAD]  }
0x2a: {  	p0 =	seq.s32 s5, $0x0;
	s5 =	sld [smem:$0x3FAE]  }
0x2b: {  	s6 =	sld [smem:$0x3FAF]  }
0x2c: {  	s7 =	sld [smem:$0x3FB0]  }
0x2d: {  	s3 =	simm.s32 $0x108;
	s8 =	sld [smem:$0x3FB1]  }
0x2e: {  	s3 =	simm.s32 @!p0 $0x1082;
	s9 =	sld [smem:$0x3FB2]  }
0x2f: {  	lr =	sadd.s32 s0, s3;
	s0 =	sld [smem:$0x3FA9]  }
0x30: {  	s3 =	sld [smem:$0x3FAC]  }
0x31: {  	[smem:$0x3FB5] =	sst s10  }
0x32: {  	s10 =	sld [smem:$0x3FB3];
	_ =	sdelay $0x3  }
0x33: {  	p0 =	seq.s32 s10, $0x1;
	s10 =	sld [smem:$0x3FB5];
	_ =	sdelay $0x3  }
0x34: {  	[smem:$0x3FB5] =	sst s10  }
0x35: {  	s10 =	sld [smem:$0x3FB4];
	_ =	sdelay $0x3  }
0x36: {  	p1 =	seq.s32 s10, $0x1;
	s10 =	sld [smem:$0x3FB5];
	_ =	sdelay $0x3  }
0x37: {  	[smem:$0x3FB5] =	sst s10  }
0x38: {  	s10 =	sld [smem:$0x3FB6]  }
0x39: {  	_ = 	snop;
	(pc) =	sbr.ind lr, $3  }
0x3a: {  	_ = 	snop  }
0x3b: {  	_ = 	snop  }
0x3c: {  	p2 =	seq.s32 s10, $0x1;
	s10 =	sld [smem:$0x3FB5]  }
0x3d: {  	_ =	shalt  }
0x3e: {  	_ =	shalt  }
0x3f: {  	_ =	shalt  }
0x40: {  	_ =	shalt  }
0x41: {  	_ =	shalt  }
0x42: {  	_ =	shalt  }
0x43: {  	_ =	shalt  }
0x44: {  	_ =	shalt  }
0x45: {  	_ =	shalt  }
0x46: {  	_ =	shalt  }
0x47: {  	_ =	shalt  }
0x48: {  	_ =	shalt  }
0x49: {  	_ =	shalt  }
0x4a: {  	_ =	shalt  }
0x4b: {  	_ =	shalt  }
0x4c: {  	_ =	shalt  }
0x4d: {  	_ =	shalt  }
0x4e: {  	_ =	shalt  }
0x4f: {  	_ =	shalt  }
0x50: {  	_ =	shalt  }
0x51: {  	_ =	shalt  }
0x52: {  	_ =	shalt  }
0x53: {  	_ =	shalt  }
0x54: {  	_ =	shalt  }
0x55: {  	_ =	shalt  }
0x56: {  	_ =	shalt  }
0x57: {  	_ =	shalt  }
0x58: {  	_ =	shalt  }
0x59: {  	_ =	shalt  }
0x5a: {  	_ =	shalt  }
0x5b: {  	_ =	shalt  }
0x5c: {  	_ =	shalt  }
0x5d: {  	_ =	shalt  }
0x5e: {  	_ =	shalt  }
0x5f: {  	_ =	shalt  }
0x60: {  	_ =	shalt  }
0x61: {  	_ =	shalt  }
0x62: {  	_ =	shalt  }
0x63: {  	_ =	shalt  }
0x64: {  	_ =	shalt  }
0x65: {  	_ =	shalt  }
0x66: {  	_ =	shalt  }
0x67: {  	_ =	shalt  }
0x68: {  	_ =	shalt  }
0x69: {  	_ =	shalt  }
0x6a: {  	_ =	shalt  }
0x6b: {  	_ =	shalt  }
0x6c: {  	_ =	shalt  }
0x6d: {  	_ =	shalt  }
0x6e: {  	_ =	shalt  }
0x6f: {  	_ =	shalt  }
0x70: {  	_ =	shalt  }
0x71: {  	_ =	shalt  }
0x72: {  	_ =	shalt  }
0x73: {  	_ =	shalt  }
0x74: {  	_ =	shalt  }
0x75: {  	_ =	shalt  }
0x76: {  	_ =	shalt  }
0x77: {  	_ =	shalt  }
0x78: {  	_ =	shalt  }
0x79: {  	_ =	shalt  }
0x7a: {  	_ =	shalt  }
0x7b: {  	_ =	shalt  }
0x7c: {  	_ =	shalt  }
0x7d: {  	_ =	shalt  }
0x7e: {  	_ =	shalt  }
0x7f: {  	_ =	shalt  }
0x80: {  	_ =	shalt  }
0x81: {  	_ =	shalt  }
0x82: {  	_ =	shalt  }
0x83: {  	_ =	shalt  }
0x84: {  	_ =	shalt  }
0x85: {  	_ =	shalt  }
0x86: {  	_ =	shalt  }
0x87: {  	_ =	shalt  }
.Lfunc_end0:
.L_simem_size_0:
called_computation.1_lowered:
.L_overlay_start_0:
0x88: {  	s2 =	sld [smem:$0x3FD9]  }
0x89: {  	s3 =	sld [smem:$0x3FFE];
	_ =	sdelay $0x1  }
0x8a: {  	s1 =	srdreg.scid  }
0x8b: {  	s0 =	sand.u32 $0x1, s1  }
0x8c: {  	s17 =	sshll.u32 s0, $0xA;
	s2 =	sadd.s32 s3, s2  }
0x8d: {  	s2 =	sadd.s32 s2, s17  }
0x8e: {  	[smem:$0x3FC1] =	sst s2  }
0x8f: {  	_ = 	snop  }
0x90: {  	(tm) =	ssettm $0x1  }
0x91: {  	s18 =	sld [smem:$0x3FFB];
	_ =	sdelay $0x3  }
0x92: {  	_ =	strace s18  }
0x93: {  	s2 =	sld [smem:$0x3FFC];
	_ =	sdelay $0x3  }
0x94: {  	_ =	strace s2  }
0x95: {  	s2 =	sld [smem:$0x3FFD];
	_ =	sdelay $0x3  }
0x96: {  	_ =	strace s2  }
0x97: {  	_ =	strace $0x8FFFFFFF  }
0x98: {  	s19 =	sld [smem:$0x3FDB];
	_ =	sdelay $0x1  }
0x99: {  	s20 =	simm.s32 $_scs_section_size  }
0x9a: {  	s4 =	simm.s32 $_size__tile_overlayer_lowered;
	s5 =	simm.s32 $_tile_overlayer_lowered  }
0x9b: {  	s6 =	simm.s32 $0x1BFF;
	s21 =	sshll.u32 s5, $0x1;
	s3 =	sadd.s32 s20, s19  }
0x9c: {  	s22 =	simm.s32 $0x0;
	s4 =	sshll.u32 s4, $0x1;
	s5 =	sadd.s32 s21, s3  }
0x9d: {  	[timem:s22], [sflag:s6] =	dma.local [hbm:s5], s4  }
0x9e: {  	_ =	swait.ge [sflag:s6], s4  }
0x9f: {  	s4 =	ssub.s32 $0x0, s4;
	[sflag:s6] =	ssyncset.done $0x0  }
0xa0: {  	[sflag:s6] =	ssyncadd.s32 s4;
	_ =	sdelay $0x1  }
0xa1: {  	s23 =	simm.s32 $0x1B8B  }
0xa2: {  	_ =	swait.ge [sflag:s23], $0x1  }
0xa3: {  	[sflag:s23] =	ssyncset.done $0x0  }
0xa4: {  	[sflag:s23] =	ssyncadd.s32 $0xFFFFFFFF  }
0xa5: {  	s4 =	sld [smem:$0x0]  }
0xa6: {  	s5 =	sand.u32 $0xFFFFFFFE, s1  }
0xa7: {  	p0 =	sne.s32 s1, s5  }
0xa8: {  	s5 =	sshll.u32 @p0 s5, $0xE  }
0xa9: {  	s5 =	sadd.s32 @p0 $0x11B8D, s5;
	s6 =	sshll.u32 @p0 s4, $0x11  }
0xaa: {  	s5 =	sor.u32 @p0 s6, s5  }
0xab: {  	[sflag:s5] =	ssyncadd.remote.s32 @p0 $0x1;
	_ =	sdelay $0x1  }
0xac: {  	s5 =	simm.s32 @p0 $0x1B8D  }
0xad: {  	_ =	swait.eq @p0 [sflag:s5], $0x1  }
0xae: {  	[sflag:s5] =	ssyncadd.s32 @p0 $0xFFFFFFFF  }
0xaf: {  	s6 =	sshll.u32 @!p0 s1, $0xE  }
0xb0: {  	s6 =	sor.u32 @!p0 $0x4000, s6;
	s5 =	simm.s32 @!p0 $0x1B8D  }
0xb1: {  	s4 =	sshll.u32 @!p0 s4, $0x11;
	s6 =	sadd.s32 @!p0 $0x11B8D, s6;
	_ =	swait.eq @!p0 [sflag:s5], $0x1  }
0xb2: {  	s4 =	sor.u32 @!p0 s4, s6;
	[sflag:s5] =	ssyncadd.s32 @!p0 $0xFFFFFFFF  }
0xb3: {  	s25 =	simm.s32 $0x1B8E;
	s24 =	sld [smem:$0x3FFE];
	[sflag:s4] =	ssyncadd.remote.s32 @!p0 $0x1  }
0xb4: {  	s26 =	simm.s32 $execute0_lowered;
	[smem:$0x3FD2] =	sst s25  }
0xb5: {  	s5 =	sshll.u32 s26, $0x1;
	_ =	strace $0x80000049;
	[dreg:$0x1] =	wrdreg $0xFFFFFFFF  }
0xb6: {  	s28 =	simm.s32 $_size_execute0_lowered;
	s3 =	sadd.s32 s3, s5;
	[dreg:$0x0] =	wrdreg $0x0  }
0xb7: {  	s5 =	sshll.u32 s28, $0x1;
	[dreg:$0x2] =	wrdreg s3  }
0xb8: {  	[dreg:$0x3] =	wrdreg s5  }
0xb9: {  	[dreg:$0x4] =	wrdreg $0xC0  }
0xba: {  	_ =	task [dreg:s22], $0x5FFFF  }
0xbb: {  	[dreg:$0x1] =	wrdreg $0xFFFFFFFF  }
0xbc: {  	[dreg:$0x0] =	wrdreg $0x60  }
0xbd: {  	[dreg:$0x2] =	wrdreg s24  }
0xbe: {  	[dreg:$0x3] =	wrdreg $0x9  }
0xbf: {  	_ =	task.clear_ibuf [dreg:s22], $0x4FFFF;
	_ =	strace $0x90000049  }
0xc0: {  	s29 =	simm.s32 $0x9;
	_ =	strace $0x8000004B  }
0xc1: {  	_ =	swait.ge [sflag:s29], $0x1  }
0xc2: {  	[sflag:s29] =	ssyncadd.s32 $0xFFFFFFFF  }
0xc3: {  	_ =	strace $0x9000004B  }
0xc4: {  	_ =	sfence  }
0xc5: {  	s30 =	sld [smem:$0x0];
	_ =	sdelay $0x2  }
0xc6: {  	s31 =	sshll.u32 s1, $0xD;
	s1 =	sshrl.u32 s1, $0x2  }
0xc7: {  	s4 =	sand.u32 $0x4000, s31;
	s1 =	sadd.s32 s1, s30  }
0xc8: {  	s0 =	sor.u32 s4, s0;
	s1 =	sshll.u32 s1, $0x11  }
0xc9: {  	s0 =	sor.u32 s1, s0  }
0xca: {  	s0 =	sadd.s32 $0x8F2B, s0  }
0xcb: {  	[sflag:s0] =	ssyncadd.remote.s32 $0x1  }
0xcc: {  	_ =	sfence.sel $0xFFFF  }
0xcd: {  	[dreg:$0x0] =	wrdreg $0xFFFFFFFF;
	(pc) =	sbr.abs _section_cstart, $3  }
0xce: {  	[dreg:$0x1] =	wrdreg $0xFFFFFFFF  }
0xcf: {  	_ =	task.clear_ibuf [dreg:s22], $0x2FFFF;
	_ =	strace $0x9FFFFFFF  }
0xd0: {  	(tm) =	ssettm $0x7FFFFFFF  }
0xd1: {  	_ =	shalt  }
tec
execute0_lowered:
.L_overlay_start_1:
0x0: {  	(tag) =	ssettag $0x1  }
0x1: {  	s7 =	rddreg [dreg:$0x0]  }
0x2: {  	s0 =	rddreg [dreg:$0x1];
	_ =	strace $0x8000004A  }
0x3: {  	s1 =	srdreg.scid;
	s4 =	simm.s32 $0x1;
	s9 =	simm.s32 $0x3  }
0x4: {  	s12 =	simm.s32 $0x0;
	s10 =	simm.s32 $0x0;
	s5 =	sshll.u32 s1, $0x4  }
.Ltmp0:
0x5: {  	s1 =	stileid.u32;
	s5 =	sand.u32 $0x10, s5;
	(pc) =	sbr.rel .LBB2_1-.Ltmp0, $4  }
0x6: {  	s2 =	sadd.s32 $0x3200, s7;
	s3 =	sadd.s32 $0x3000, s7;
	s6 =	sor.u32 s1, s5  }
0x7: {  	[sflag:s4] =	ssyncpa.u1 $0x0;
	s5 =	simm.s32 $0x2;
	s6 =	sshll.u32 s6, $0x7  }
0x8: {  	s7 =	sadd.s32 $0x3E3E00, s7;
	[sflag:s5] =	ssyncpa.u1 $0x0;
	s8 =	sadd.s32 $0x80, s6  }
0x9: {  	vm0 =	vmmov $0xff;
	vm1 =	vcmask $0x3F20;
	[sflag:s9] =	ssyncpa.u1 $0x0;
	s9 =	simm.s32 $0x80;
	s11 =	smov.u32 s6  }
.LBB2_9:
0xa: {  	p0 =	seq.s32 s10, $0x2  }
.Ltmp1:
0xb: {  	_ = 	snop;
	(pc) =	sbr.rel @p0 .LBB2_11-.Ltmp1, $1  }
0xc: {  	_ =	sdelay $0x3  }
.LBB2_10:
0xd: {  	s12 =	sadd.s32 $0x80, s11  }
0xe: {  	s13 =	smov.u32 s6;
	p0 =	slt.s32 s12, s8  }
0xf: {  	s13 =	smov.u32 @p0 s12  }
0x10: {  	s10 =	sadd.s32 $0x1, s10;
	s12 =	smov.u32 s11;
	s11 =	smov.u32 s13  }
.LBB2_1:
0x11: {  	p0 =	sne.s32 s10, $0x0  }
.Ltmp2:
0x12: {  	_ = 	snop;
	(pc) =	sbr.rel @!p0 .LBB2_2-.Ltmp2, $1  }
0x13: {  	_ =	sdelay $0x3  }
0x14: {  	s13 =	sand.u32 $0x1, s10  }
0x15: {  	p0 =	seq.s32 s13, $0x0  }
.Ltmp3:
0x16: {  	_ = 	snop;
	(pc) =	sbr.rel @p0 .LBB2_9-.Ltmp3, $1  }
0x17: {  	_ =	sdelay $0x3  }
0x18: {  	_ =	swait.ge [sflag:s5], $0x80  }
0x19: {  	[sflag:s5] =	ssyncset.done $0x0  }
0x1a: {  	s13 =	simm.s32 $0x0;
	[sflag:s5] =	ssyncadd.s32 $0xFFFFFF80  }
0x1b: {  	v0 =	vld.msk [tilespmem:s13+$0x80 ss:$0x1], $0xffff;
	_ =	sdelay $0x4  }
0x1c: {  	vm2 =	vgt.s32 v0, $0x0  }
0x1d: {  	v0 =	vnsel vm2, $0x0, v0  }
0x1e: {  	v0 =	vmin.u32 v0, $0x1869F  }
0x1f: {  	v0 =	vshll.u32 v0, $0x4;
	_ =	sdelay $0x3  }
0x20: {  	s13 =	simm.s32 $0x4100  }
0x21: {  	[tilespmem:s13], [sflag:$0x1] =	stream.indirect_vreg.gather [hbm:s2], $0x80, v0, vm0, $0x38;
	[tilespmem:$0x8100] =	vst v63  }
0x22: {  	s14 =	simm.s32 $0x4500;
	s31 =	simm.s32 $0x10  }
0x23: {  	[tilespmem:s14], [sflag:$0x1] =	stream.indirect_vreg.gather [hbm:s2], $0x80, v0, vm1, $0x38;
	[tilespmem:$0x8100] =	vst v63  }
0x24: {  	s14 =	simm.s32 $0x80;
	v0 =	vld.msk [tilespmem:s31+$0x80 ss:$0x1], $0xffff  }
.LBB2_5:
0x25: {  	p0 =	sne.s32 s14, $0x1C0;
	_ =	sdelay $0x4  }
0x26: {  	vm2 =	vgt.s32 v0, $0x0  }
0x27: {  	v0 =	vnsel vm2, $0x0, v0  }
0x28: {  	v0 =	vmin.u32 v0, $0x1869F  }
0x29: {  	v0 =	vshll.u32 v0, $0x4;
	_ =	sdelay $0x3  }
.Ltmp4:
0x2a: {  	s13 =	sadd.s32 $0x800, s13;
	(pc) =	sbr.rel @p0 .LBB2_5-.Ltmp4, $4  }
0x2b: {  	[tilespmem:s13], [sflag:$0x1] =	stream.indirect_vreg.gather [hbm:s2], $0x80, v0, vm0, $0x38;
	[tilespmem:$0x8100] =	vst v63  }
0x2c: {  	s15 =	sshra.s32 s14, $0x2;
	s16 =	sadd.s32 $0x400, s13  }
0x2d: {  	[tilespmem:s16], [sflag:$0x1] =	stream.indirect_vreg.gather [hbm:s2], $0x80, v0, vm1, $0x38;
	[tilespmem:$0x8100] =	vst v63  }
0x2e: {  	s14 =	sadd.s32 $0x40, s14;
	v0 =	vld.msk [tilespmem:s15+$0x80 ss:$0x1], $0xffff  }
0x2f: {  	_ =	sdelay $0x3  }
0x30: {  	vm2 =	vgt.s32 v0, $0x0  }
0x31: {  	v0 =	vnsel vm2, $0x0, v0  }
0x32: {  	v0 =	vmin.u32 v0, $0x1869F  }
0x33: {  	v0 =	vshll.u32 v0, $0x4;
	_ =	sdelay $0x3  }
0x34: {  	s13 =	sadd.s32 $0x800, s13  }
0x35: {  	[tilespmem:s13], [sflag:$0x1] =	stream.indirect_vreg.gather [hbm:s2], $0x80, v0, vm0, $0x38;
	[tilespmem:$0x8100] =	vst v63  }
0x36: {  	s13 =	sadd.s32 $0x400, s13  }
0x37: {  	[tilespmem:s13], [sflag:$0x1] =	stream.indirect_vreg.gather [hbm:s2], $0x80, v0, vm1, $0x38;
	[tilespmem:$0x8100] =	vst v63  }
0x38: {  	s12 =	sshll.u32 s12, $0x4;
	s14 =	simm.s32 $0x80;
	_ =	swait.ge [sflag:s4], $0x4000  }
0x39: {  	s15 =	simm.s32 $0x4500;
	s12 =	sadd.s32 s12, s7;
	[sflag:s4] =	ssyncset.done $0x0  }
0x3a: {  	s16 =	sadd.s32 $0x0, s12;
	s13 =	simm.s32 $0x4100;
	[sflag:s4] =	ssyncadd.s32 $0xFFFFC000  }
.LBB2_7:
0x3b: {  	[hbm:s16] =	stream.linear.scatter [tilespmem:s13], [sflag:$0x3], $0x400, $0x38;
	[tilespmem:$0x8100] =	vst v63  }
0x3c: {  	s16 =	smov.u32 s14;
	s13 =	smov.u32 s15;
	p0 =	sne.s32 s14, $0x780  }
.Ltmp5:
0x3d: {  	s14 =	sadd.s32 $0x80, s14;
	(pc) =	sbr.rel @p0 .LBB2_7-.Ltmp5, $2  }
0x3e: {  	_ =	sdelay $0x2  }
0x3f: {  	s15 =	sadd.s32 $0x400, s15;
	s16 =	sadd.s32 s16, s12  }
.Ltmp6:
0x40: {  	(pc) =	sbr.rel .LBB2_9-.Ltmp6, $2  }
0x41: {  	_ =	sdelay $0x2  }
0x42: {  	[hbm:s16] =	stream.linear.scatter [tilespmem:s13], [sflag:$0x3], $0x400, $0x38;
	[tilespmem:$0x8100] =	vst v63  }
.LBB2_2:
.Ltmp7:
0x43: {  	(pc) =	sbr.rel .LBB2_10-.Ltmp7, $4  }
0x44: {  	_ = 	snop  }
0x45: {  	s12 =	sshrl.u32 s11, $0x3  }
0x46: {  	s13 =	sand.u32 $0x7, s11;
	s12 =	sadd.s32 s3, s12  }
0x47: {  	[tilespmem:s9], [sflag:$0x2] =	stream.linear.gather [hbm4b:s12+s13], $0x80, $0x38;
	[tilespmem:$0x8100] =	vst v63  }
.LBB2_11:
0x48: {  	s2 =	simm.s32 $0x3  }
0x49: {  	_ =	swait.ge [sflag:s2], $0x4000  }
0x4a: {  	[sflag:s2] =	ssyncset.done $0x0  }
0x4b: {  	[sflag:s2] =	ssyncadd.s32 $0xFFFFC000  }
0x4c: {  	_ =	sfence.sel $0x180000  }
0x4d: {  	s3 =	simm.s32 $0x2;
	[bflag:$0x0] =	sbarrier.arrive $0xFFFF  }
0x4e: {  	[sflag:s3] =	ssyncpa.u1 $0x1  }
0x4f: {  	s31 =	simm.s32 $0x1;
	[sflag:s2] =	ssyncpa.u1 $0x1  }
0x50: {  	[sflag:s31] =	ssyncpa.u1 $0x1  }
0x51: {  	p0 =	sne.s32 s1, $0x0;
	_ =	strace $0x9000004A  }
0x52: {  	s0 =	sadd.s32 @!p0 $0x100000, s0;
	[bflag:$0x2] =	sbarrier.arrive $0xFFFF  }
0x53: {  	[sflag:s0] =	ssyncadd.tile.s32 @!p0 $0x1;
	_ =	shalt  }
.Lfunc_end2:
_tile_overlayer_lowered:
.L_overlay_start_2:
0x54: {  	(tag) =	ssettag $0x2  }
0x55: {  	s0 =	rddreg [dreg:$0x0];
	s2 =	stileid.u32  }
0x56: {  	s1 =	rddreg [dreg:$0x1];
	p0 =	sne.s32 s2, $0x0  }
0x57: {  	s3 =	rddreg [dreg:$0x2];
	[bflag:$0x3] =	sbarrier.arrive $0xFFFF;
	s2 =	simm.s32 @!p0 $0x1C01  }
0x58: {  	[timem:s3], [sflag:s2] =	dma.local @!p0 [hbm:s0], s1  }
0x59: {  	s0 =	simm.s32 @!p0 $0x1  }
0x5a: {  	_ =	swait.ge @!p0 [sflag:s0], s1  }
0x5b: {  	s1 =	ssub.s32 @!p0 $0x0, s1;
	[sflag:s0] =	ssyncset.done @!p0 $0x0  }
0x5c: {  	[sflag:s0] =	ssyncadd.s32 @!p0 s1  }
0x5d: {  	[bflag:$0x3] =	sbarrier.arrive $0xFFFF  }
0x5e: {  	_ =	shalt  }

// kernel: gather_offload_async_start.2
scs
__scs_entry_jumppad:
0x0: {  	(pc) =	sbr.rel $0x88, $3  }
0x1: {  	(tag) =	ssettag $0x0;
	lr =	simm.s32 $0x1  }
0x2: {  	[smem:$0x3F9A] =	sst lr;
	_ =	strace $0xD0000000  }
0x3: {  	_ = 	snop  }
0x4: {  	_ = 	snop  }
0x5: {  	_ = 	snop  }
0x6: {  	_ = 	snop  }
0x7: {  	_ = 	snop  }
__scs_overlays_trampoline_lowered:
0x8: {  	[smem:$0x3FA9] =	sst s0  }
0x9: {  	[smem:$0x3FAA] =	sst s1  }
0xa: {  	[smem:$0x3FAB] =	sst s2  }
0xb: {  	[smem:$0x3FAC] =	sst s3  }
0xc: {  	[smem:$0x3FAD] =	sst s4  }
0xd: {  	[smem:$0x3FAE] =	sst s5  }
0xe: {  	[smem:$0x3FAF] =	sst s6  }
0xf: {  	[smem:$0x3FB0] =	sst s7  }
0x10: {  	[smem:$0x3FB1] =	sst s8  }
0x11: {  	[smem:$0x3FB2] =	sst s9;
	s0 =	simm.s32 @!p0 $0x0  }
0x12: {  	s1 =	sld [smem:$0x3F98];
	s0 =	simm.s32 @p0 $0x1  }
0x13: {  	[smem:$0x3FB3] =	sst s0;
	s0 =	simm.s32 @!p1 $0x0  }
0x14: {  	s2 =	sld [smem:$0x3F97];
	s0 =	simm.s32 @p1 $0x1  }
0x15: {  	[smem:$0x3FB4] =	sst s0;
	s0 =	simm.s32 @!p2 $0x0  }
0x16: {  	s3 =	sld [smem:$0x3FDB];
	s0 =	simm.s32 @p2 $0x1  }
0x17: {  	s4 =	simm.s32 $0x1BF5;
	[smem:$0x3FB6] =	sst s0  }
0x18: {  	s0 =	sld [smem:$0x3F99];
	_ =	swait.ge [sflag:s4], $0x0  }
0x19: {  	s7 =	sld [smem:$0x3F9A]  }
0x1a: {  	s8 =	sadd.s32 $0xFFFFE003, lr  }
0x1b: {  	s9 =	sadd.s32 $0xFFFFFEF7, lr;
	s5 =	simm.s32 $0xFFFFFFFF;
	p2 =	slt.u32 s8, $0xFFFFF086  }
0x1c: {  	p1 =	slt.u32 s9, $0xF7A;
	s5 =	simm.s32 @!p2 $0x0  }
0x1d: {  	s5 =	simm.s32 @p1 $0x1;
	p0 =	seq.s32 s7, s2  }
0x1e: {  	s7 =	smul.u32 @!p0 $0xF7A, s2;
	p2 =	seq.s32 @!p0 s5, $0x0  }
0x1f: {  	s9 =	smul.u32 $0xF7A, s1;
	s8 =	simm.s32 @!p0 $0x1BF5;
	p2 =	por !p2, p0  }
0x20: {  	[sflag:s8] =	ssyncset.s32 @!p0 $0xFFFFF086;
	s6 =	sadd.s32 @!p0 s3, s7;
	s7 =	simm.s32 @!p0 $0x108  }
0x21: {  	s3 =	sadd.s32 s3, s9;
	s6 =	sadd.s32 @!p0 $0x88, s6;
	s7 =	simm.s32 @p2 $0x1082  }
0x22: {  	[simem:s7], [sflag:s8] =	dma.local @!p0 [hbm:s6], $0xF7A  }
0x23: {  	s9 =	sor.u32 $0xD0000000, s2;
	s6 =	simm.s32 $0x108;
	_ =	swait.ge @!p0 [sflag:s8], $0x0  }
0x24: {  	s3 =	sadd.s32 $0x88, s3;
	s6 =	simm.s32 @!p1 $0x1082;
	[sflag:s4] =	ssyncset.s32 $0xFFFFF086  }
0x25: {  	[simem:s6], [sflag:s4] =	dma.local [hbm:s3], $0xF7A  }
0x26: {  	[smem:$0x3F9A] =	sst s1;
	(tag) =	ssettag s2;
	_ =	strace s9  }
0x27: {  	s1 =	sld [smem:$0x3FAA]  }
0x28: {  	s2 =	sld [smem:$0x3FAB]  }
0x29: {  	s4 =	sld [smem:$0x3FAD]  }
0x2a: {  	p0 =	seq.s32 s5, $0x0;
	s5 =	sld [smem:$0x3FAE]  }
0x2b: {  	s6 =	sld [smem:$0x3FAF]  }
0x2c: {  	s7 =	sld [smem:$0x3FB0]  }
0x2d: {  	s3 =	simm.s32 $0x108;
	s8 =	sld [smem:$0x3FB1]  }
0x2e: {  	s3 =	simm.s32 @!p0 $0x1082;
	s9 =	sld [smem:$0x3FB2]  }
0x2f: {  	lr =	sadd.s32 s0, s3;
	s0 =	sld [smem:$0x3FA9]  }
0x30: {  	s3 =	sld [smem:$0x3FAC]  }
0x31: {  	[smem:$0x3FB5] =	sst s10  }
0x32: {  	s10 =	sld [smem:$0x3FB3];
	_ =	sdelay $0x3  }
0x33: {  	p0 =	seq.s32 s10, $0x1;
	s10 =	sld [smem:$0x3FB5];
	_ =	sdelay $0x3  }
0x34: {  	[smem:$0x3FB5] =	sst s10  }
0x35: {  	s10 =	sld [smem:$0x3FB4];
	_ =	sdelay $0x3  }
0x36: {  	p1 =	seq.s32 s10, $0x1;
	s10 =	sld [smem:$0x3FB5];
	_ =	sdelay $0x3  }
0x37: {  	[smem:$0x3FB5] =	sst s10  }
0x38: {  	s10 =	sld [smem:$0x3FB6]  }
0x39: {  	_ = 	snop;
	(pc) =	sbr.ind lr, $3  }
0x3a: {  	_ = 	snop  }
0x3b: {  	_ = 	snop  }
0x3c: {  	p2 =	seq.s32 s10, $0x1;
	s10 =	sld [smem:$0x3FB5]  }
0x3d: {  	_ =	shalt  }
0x3e: {  	_ =	shalt  }
0x3f: {  	_ =	shalt  }
0x40: {  	_ =	shalt  }
0x41: {  	_ =	shalt  }
0x42: {  	_ =	shalt  }
0x43: {  	_ =	shalt  }
0x44: {  	_ =	shalt  }
0x45: {  	_ =	shalt  }
0x46: {  	_ =	shalt  }
0x47: {  	_ =	shalt  }
0x48: {  	_ =	shalt  }
0x49: {  	_ =	shalt  }
0x4a: {  	_ =	shalt  }
0x4b: {  	_ =	shalt  }
0x4c: {  	_ =	shalt  }
0x4d: {  	_ =	shalt  }
0x4e: {  	_ =	shalt  }
0x4f: {  	_ =	shalt  }
0x50: {  	_ =	shalt  }
0x51: {  	_ =	shalt  }
0x52: {  	_ =	shalt  }
0x53: {  	_ =	shalt  }
0x54: {  	_ =	shalt  }
0x55: {  	_ =	shalt  }
0x56: {  	_ =	shalt  }
0x57: {  	_ =	shalt  }
0x58: {  	_ =	shalt  }
0x59: {  	_ =	shalt  }
0x5a: {  	_ =	shalt  }
0x5b: {  	_ =	shalt  }
0x5c: {  	_ =	shalt  }
0x5d: {  	_ =	shalt  }
0x5e: {  	_ =	shalt  }
0x5f: {  	_ =	shalt  }
0x60: {  	_ =	shalt  }
0x61: {  	_ =	shalt  }
0x62: {  	_ =	shalt  }
0x63: {  	_ =	shalt  }
0x64: {  	_ =	shalt  }
0x65: {  	_ =	shalt  }
0x66: {  	_ =	shalt  }
0x67: {  	_ =	shalt  }
0x68: {  	_ =	shalt  }
0x69: {  	_ =	shalt  }
0x6a: {  	_ =	shalt  }
0x6b: {  	_ =	shalt  }
0x6c: {  	_ =	shalt  }
0x6d: {  	_ =	shalt  }
0x6e: {  	_ =	shalt  }
0x6f: {  	_ =	shalt  }
0x70: {  	_ =	shalt  }
0x71: {  	_ =	shalt  }
0x72: {  	_ =	shalt  }
0x73: {  	_ =	shalt  }
0x74: {  	_ =	shalt  }
0x75: {  	_ =	shalt  }
0x76: {  	_ =	shalt  }
0x77: {  	_ =	shalt  }
0x78: {  	_ =	shalt  }
0x79: {  	_ =	shalt  }
0x7a: {  	_ =	shalt  }
0x7b: {  	_ =	shalt  }
0x7c: {  	_ =	shalt  }
0x7d: {  	_ =	shalt  }
0x7e: {  	_ =	shalt  }
0x7f: {  	_ =	shalt  }
0x80: {  	_ =	shalt  }
0x81: {  	_ =	shalt  }
0x82: {  	_ =	shalt  }
0x83: {  	_ =	shalt  }
0x84: {  	_ =	shalt  }
0x85: {  	_ =	shalt  }
0x86: {  	_ =	shalt  }
0x87: {  	_ =	shalt  }
.Lfunc_end0:
.L_simem_size_0:
called_computation.2_lowered:
.L_overlay_start_0:
0x88: {  	s2 =	sld [smem:$0x3FD9]  }
0x89: {  	s3 =	sld [smem:$0x3FFE];
	_ =	sdelay $0x1  }
0x8a: {  	s1 =	srdreg.scid  }
0x8b: {  	s0 =	sand.u32 $0x1, s1  }
0x8c: {  	s17 =	sshll.u32 s0, $0xA;
	s2 =	sadd.s32 s3, s2  }
0x8d: {  	s2 =	sadd.s32 s2, s17  }
0x8e: {  	[smem:$0x3FC1] =	sst s2  }
0x8f: {  	_ = 	snop  }
0x90: {  	s18 =	sld [smem:$0x3FD0];
	(tm) =	ssettm $0x1  }
0x91: {  	s19 =	sld [smem:$0x3FFB];
	_ =	sdelay $0x3  }
0x92: {  	_ =	strace s19  }
0x93: {  	s2 =	sld [smem:$0x3FFC];
	_ =	sdelay $0x3  }
0x94: {  	_ =	strace s2  }
0x95: {  	s2 =	sld [smem:$0x3FFD];
	_ =	sdelay $0x3  }
0x96: {  	_ =	strace s2  }
0x97: {  	_ =	strace $0x8FFFFFFF  }
0x98: {  	s20 =	sld [smem:$0x3FDB];
	_ =	sdelay $0x1  }
0x99: {  	s4 =	simm.s32 $_scs_section_size  }
0x9a: {  	s5 =	simm.s32 $_size__tile_overlayer_lowered;
	s6 =	simm.s32 $_tile_overlayer_lowered  }
0x9b: {  	s7 =	simm.s32 $0x1BFF;
	s21 =	sshll.u32 s6, $0x1;
	s4 =	sadd.s32 s4, s20  }
0x9c: {  	s22 =	simm.s32 $0x0;
	s5 =	sshll.u32 s5, $0x1;
	s6 =	sadd.s32 s21, s4  }
0x9d: {  	[timem:s22], [sflag:s7] =	dma.local [hbm:s6], s5  }
0x9e: {  	_ =	swait.ge [sflag:s7], s5  }
0x9f: {  	s5 =	ssub.s32 $0x0, s5;
	[sflag:s7] =	ssyncset.done $0x0  }
0xa0: {  	[sflag:s7] =	ssyncadd.s32 s5;
	_ =	sdelay $0x1  }
0xa1: {  	s23 =	simm.s32 $0x1B8B  }
0xa2: {  	_ =	swait.ge [sflag:s23], $0x1  }
0xa3: {  	[sflag:s23] =	ssyncset.done $0x0  }
0xa4: {  	[sflag:s23] =	ssyncadd.s32 $0xFFFFFFFF  }
0xa5: {  	s5 =	sld [smem:$0x0]  }
0xa6: {  	s6 =	sand.u32 $0xFFFFFFFE, s1  }
0xa7: {  	p0 =	sne.s32 s1, s6  }
0xa8: {  	s6 =	sshll.u32 @p0 s6, $0xE  }
0xa9: {  	s6 =	sadd.s32 @p0 $0x11B8D, s6;
	s7 =	sshll.u32 @p0 s5, $0x11  }
0xaa: {  	s6 =	sor.u32 @p0 s7, s6  }
0xab: {  	[sflag:s6] =	ssyncadd.remote.s32 @p0 $0x1;
	_ =	sdelay $0x1  }
0xac: {  	s6 =	simm.s32 @p0 $0x1B8D  }
0xad: {  	_ =	swait.eq @p0 [sflag:s6], $0x1  }
0xae: {  	[sflag:s6] =	ssyncadd.s32 @p0 $0xFFFFFFFF  }
0xaf: {  	s7 =	sshll.u32 @!p0 s1, $0xE  }
0xb0: {  	s7 =	sor.u32 @!p0 $0x4000, s7;
	s6 =	simm.s32 @!p0 $0x1B8D  }
0xb1: {  	s5 =	sshll.u32 @!p0 s5, $0x11;
	s7 =	sadd.s32 @!p0 $0x11B8D, s7;
	_ =	swait.eq @!p0 [sflag:s6], $0x1  }
0xb2: {  	s5 =	sor.u32 @!p0 s5, s7;
	[sflag:s6] =	ssyncadd.s32 @!p0 $0xFFFFFFFF  }
0xb3: {  	s25 =	simm.s32 $0x1B8E;
	s24 =	sld [smem:$0x3FFE];
	[sflag:s5] =	ssyncadd.remote.s32 @!p0 $0x1  }
0xb4: {  	s26 =	simm.s32 $execute0_lowered;
	[smem:$0x3FD2] =	sst s25  }
0xb5: {  	s6 =	sshll.u32 s26, $0x1;
	_ =	strace $0x8000004C;
	[dreg:$0x1] =	wrdreg $0xFFFFFFFF  }
0xb6: {  	s28 =	simm.s32 $_size_execute0_lowered;
	s4 =	sadd.s32 s4, s6;
	[dreg:$0x0] =	wrdreg $0x0  }
0xb7: {  	s6 =	sshll.u32 s28, $0x1;
	[dreg:$0x2] =	wrdreg s4  }
0xb8: {  	[dreg:$0x3] =	wrdreg s6  }
0xb9: {  	[dreg:$0x4] =	wrdreg $0xC0  }
0xba: {  	_ =	task [dreg:s22], $0x5FFFF  }
0xbb: {  	[dreg:$0x1] =	wrdreg $0xFFFFFFFF  }
0xbc: {  	[dreg:$0x0] =	wrdreg $0x60  }
0xbd: {  	[dreg:$0x2] =	wrdreg s24  }
0xbe: {  	[dreg:$0x3] =	wrdreg s18  }
0xbf: {  	[dreg:$0x4] =	wrdreg $0xA  }
0xc0: {  	_ =	task.clear_ibuf [dreg:s22], $0x5FFFF;
	_ =	strace $0x9000004C  }
0xc1: {  	s29 =	simm.s32 $0xA;
	_ =	strace $0x8000004E  }
0xc2: {  	_ =	swait.ge [sflag:s29], $0x1  }
0xc3: {  	[sflag:s29] =	ssyncadd.s32 $0xFFFFFFFF  }
0xc4: {  	_ =	strace $0x9000004E  }
0xc5: {  	_ =	sfence  }
0xc6: {  	s30 =	sld [smem:$0x0];
	_ =	sdelay $0x2  }
0xc7: {  	s31 =	sshll.u32 s1, $0xD;
	s1 =	sshrl.u32 s1, $0x2  }
0xc8: {  	s4 =	sand.u32 $0x4000, s31;
	s1 =	sadd.s32 s1, s30  }
0xc9: {  	s0 =	sor.u32 s4, s0;
	s1 =	sshll.u32 s1, $0x11  }
0xca: {  	s0 =	sor.u32 s1, s0  }
0xcb: {  	s0 =	sadd.s32 $0x8F2B, s0  }
0xcc: {  	[sflag:s0] =	ssyncadd.remote.s32 $0x1  }
0xcd: {  	_ =	sfence.sel $0xFFFF  }
0xce: {  	[dreg:$0x0] =	wrdreg $0xFFFFFFFF;
	(pc) =	sbr.abs _section_cstart, $3  }
0xcf: {  	[dreg:$0x1] =	wrdreg $0xFFFFFFFF  }
0xd0: {  	_ =	task.clear_ibuf [dreg:s22], $0x2FFFF;
	_ =	strace $0x9FFFFFFF  }
0xd1: {  	(tm) =	ssettm $0x7FFFFFFF  }
tec
execute0_lowered:
.L_overlay_start_1:
0x0: {  	(tag) =	ssettag $0x1  }
0x1: {  	s7 =	rddreg [dreg:$0x0]  }
0x2: {  	s2 =	rddreg [dreg:$0x1]  }
0x3: {  	s0 =	rddreg [dreg:$0x2]  }
0x4: {  	s1 =	srdreg.scid;
	_ =	strace $0x8000004D;
	s4 =	simm.s32 $0x1  }
0x5: {  	s9 =	simm.s32 $0x3;
	s12 =	simm.s32 $0x0;
	s5 =	sshll.u32 s1, $0x4  }
.Ltmp0:
0x6: {  	s1 =	stileid.u32;
	s5 =	sand.u32 $0x10, s5;
	(pc) =	sbr.rel .LBB2_1-.Ltmp0, $4  }
0x7: {  	s10 =	simm.s32 $0x0;
	s3 =	sadd.s32 $0x189C00, s7;
	s6 =	sor.u32 s1, s5  }
0x8: {  	[sflag:s4] =	ssyncpa.u1 $0x0;
	s5 =	simm.s32 $0x2;
	s6 =	sshll.u32 s6, $0x7  }
0x9: {  	s7 =	sadd.s32 $0x3D3C00, s7;
	[sflag:s5] =	ssyncpa.u1 $0x0;
	s8 =	sadd.s32 $0x80, s6  }
0xa: {  	vm0 =	vmmov $0xff;
	vm1 =	vcmask $0x3F20;
	[sflag:s9] =	ssyncpa.u1 $0x0;
	s9 =	simm.s32 $0x80;
	s11 =	smov.u32 s6  }
.LBB2_9:
0xb: {  	p0 =	seq.s32 s10, $0x2  }
.Ltmp1:
0xc: {  	_ = 	snop;
	(pc) =	sbr.rel @p0 .LBB2_11-.Ltmp1, $1  }
0xd: {  	_ =	sdelay $0x3  }
.LBB2_10:
0xe: {  	s12 =	sadd.s32 $0x80, s11  }
0xf: {  	s13 =	smov.u32 s6;
	p0 =	slt.s32 s12, s8  }
0x10: {  	s13 =	smov.u32 @p0 s12  }
0x11: {  	s10 =	sadd.s32 $0x1, s10;
	s12 =	smov.u32 s11;
	s11 =	smov.u32 s13  }
.LBB2_1:
0x12: {  	p0 =	sne.s32 s10, $0x0  }
.Ltmp2:
0x13: {  	_ = 	snop;
	(pc) =	sbr.rel @!p0 .LBB2_2-.Ltmp2, $1  }
0x14: {  	_ =	sdelay $0x3  }
0x15: {  	s13 =	sand.u32 $0x1, s10  }
0x16: {  	p0 =	seq.s32 s13, $0x0  }
.Ltmp3:
0x17: {  	_ = 	snop;
	(pc) =	sbr.rel @p0 .LBB2_9-.Ltmp3, $1  }
0x18: {  	_ =	sdelay $0x3  }
0x19: {  	_ =	swait.ge [sflag:s5], $0x80  }
0x1a: {  	[sflag:s5] =	ssyncset.done $0x0  }
0x1b: {  	s13 =	simm.s32 $0x0;
	[sflag:s5] =	ssyncadd.s32 $0xFFFFFF80  }
0x1c: {  	v0 =	vld.msk [tilespmem:s13+$0x80 ss:$0x1], $0xffff;
	_ =	sdelay $0x4  }
0x1d: {  	vm2 =	vgt.s32 v0, $0x0  }
0x1e: {  	v0 =	vnsel vm2, $0x0, v0  }
0x1f: {  	v0 =	vmin.u32 v0, $0x1869F  }
0x20: {  	v0 =	vshll.u32 v0, $0x4;
	_ =	sdelay $0x3  }
0x21: {  	s13 =	simm.s32 $0x4100  }
0x22: {  	[tilespmem:s13], [sflag:$0x1] =	stream.indirect_vreg.gather [hbm:s3], $0x80, v0, vm0, $0x38;
	[tilespmem:$0x8100] =	vst v63  }
0x23: {  	s14 =	simm.s32 $0x4500;
	s31 =	simm.s32 $0x10  }
0x24: {  	[tilespmem:s14], [sflag:$0x1] =	stream.indirect_vreg.gather [hbm:s3], $0x80, v0, vm1, $0x38;
	[tilespmem:$0x8100] =	vst v63  }
0x25: {  	s14 =	simm.s32 $0x80;
	v0 =	vld.msk [tilespmem:s31+$0x80 ss:$0x1], $0xffff  }
.LBB2_5:
0x26: {  	p0 =	sne.s32 s14, $0x1C0;
	_ =	sdelay $0x4  }
0x27: {  	vm2 =	vgt.s32 v0, $0x0  }
0x28: {  	v0 =	vnsel vm2, $0x0, v0  }
0x29: {  	v0 =	vmin.u32 v0, $0x1869F  }
0x2a: {  	v0 =	vshll.u32 v0, $0x4;
	_ =	sdelay $0x3  }
.Ltmp4:
0x2b: {  	s13 =	sadd.s32 $0x800, s13;
	(pc) =	sbr.rel @p0 .LBB2_5-.Ltmp4, $4  }
0x2c: {  	[tilespmem:s13], [sflag:$0x1] =	stream.indirect_vreg.gather [hbm:s3], $0x80, v0, vm0, $0x38;
	[tilespmem:$0x8100] =	vst v63  }
0x2d: {  	s15 =	sshra.s32 s14, $0x2;
	s16 =	sadd.s32 $0x400, s13  }
0x2e: {  	[tilespmem:s16], [sflag:$0x1] =	stream.indirect_vreg.gather [hbm:s3], $0x80, v0, vm1, $0x38;
	[tilespmem:$0x8100] =	vst v63  }
0x2f: {  	s14 =	sadd.s32 $0x40, s14;
	v0 =	vld.msk [tilespmem:s15+$0x80 ss:$0x1], $0xffff  }
0x30: {  	_ =	sdelay $0x3  }
0x31: {  	vm2 =	vgt.s32 v0, $0x0  }
0x32: {  	v0 =	vnsel vm2, $0x0, v0  }
0x33: {  	v0 =	vmin.u32 v0, $0x1869F  }
0x34: {  	v0 =	vshll.u32 v0, $0x4;
	_ =	sdelay $0x3  }
0x35: {  	s13 =	sadd.s32 $0x800, s13  }
0x36: {  	[tilespmem:s13], [sflag:$0x1] =	stream.indirect_vreg.gather [hbm:s3], $0x80, v0, vm0, $0x38;
	[tilespmem:$0x8100] =	vst v63  }
0x37: {  	s13 =	sadd.s32 $0x400, s13  }
0x38: {  	[tilespmem:s13], [sflag:$0x1] =	stream.indirect_vreg.gather [hbm:s3], $0x80, v0, vm1, $0x38;
	[tilespmem:$0x8100] =	vst v63  }
0x39: {  	s12 =	sshll.u32 s12, $0x4;
	s14 =	simm.s32 $0x80;
	_ =	swait.ge [sflag:s4], $0x4000  }
0x3a: {  	s15 =	simm.s32 $0x4500;
	s12 =	sadd.s32 s12, s2;
	[sflag:s4] =	ssyncset.done $0x0  }
0x3b: {  	s16 =	sadd.s32 $0x0, s12;
	s13 =	simm.s32 $0x4100;
	[sflag:s4] =	ssyncadd.s32 $0xFFFFC000  }
.LBB2_7:
0x3c: {  	[hbm:s16] =	stream.linear.scatter [tilespmem:s13], [sflag:$0x3], $0x400, $0x38;
	[tilespmem:$0x8100] =	vst v63  }
0x3d: {  	s16 =	smov.u32 s14;
	s13 =	smov.u32 s15;
	p0 =	sne.s32 s14, $0x780  }
.Ltmp5:
0x3e: {  	s14 =	sadd.s32 $0x80, s14;
	(pc) =	sbr.rel @p0 .LBB2_7-.Ltmp5, $2  }
0x3f: {  	_ =	sdelay $0x2  }
0x40: {  	s15 =	sadd.s32 $0x400, s15;
	s16 =	sadd.s32 s16, s12  }
.Ltmp6:
0x41: {  	(pc) =	sbr.rel .LBB2_9-.Ltmp6, $2  }
0x42: {  	_ =	sdelay $0x2  }
0x43: {  	[hbm:s16] =	stream.linear.scatter [tilespmem:s13], [sflag:$0x3], $0x400, $0x38;
	[tilespmem:$0x8100] =	vst v63  }
.LBB2_2:
.Ltmp7:
0x44: {  	(pc) =	sbr.rel .LBB2_10-.Ltmp7, $4  }
0x45: {  	_ = 	snop  }
0x46: {  	s12 =	sshrl.u32 s11, $0x3  }
0x47: {  	s13 =	sand.u32 $0x7, s11;
	s12 =	sadd.s32 s7, s12  }
0x48: {  	[tilespmem:s9], [sflag:$0x2] =	stream.linear.gather [hbm4b:s12+s13], $0x80, $0x38;
	[tilespmem:$0x8100] =	vst v63  }
.LBB2_11:
0x49: {  	s2 =	simm.s32 $0x3  }
0x4a: {  	_ =	swait.ge [sflag:s2], $0x4000  }
0x4b: {  	[sflag:s2] =	ssyncset.done $0x0  }
0x4c: {  	[sflag:s2] =	ssyncadd.s32 $0xFFFFC000  }
0x4d: {  	_ =	sfence.sel $0x180000  }
0x4e: {  	s3 =	simm.s32 $0x2;
	[bflag:$0x0] =	sbarrier.arrive $0xFFFF  }
0x4f: {  	[sflag:s3] =	ssyncpa.u1 $0x1  }
0x50: {  	s31 =	simm.s32 $0x1;
	[sflag:s2] =	ssyncpa.u1 $0x1  }
0x51: {  	[sflag:s31] =	ssyncpa.u1 $0x1  }
0x52: {  	p0 =	sne.s32 s1, $0x0;
	_ =	strace $0x9000004D  }
0x53: {  	s0 =	sadd.s32 @!p0 $0x100000, s0;
	[bflag:$0x2] =	sbarrier.arrive $0xFFFF  }
0x54: {  	[sflag:s0] =	ssyncadd.tile.s32 @!p0 $0x1;
	_ =	shalt  }
.Lfunc_end2:
_tile_overlayer_lowered:
.L_overlay_start_2:
0x55: {  	(tag) =	ssettag $0x2  }
0x56: {  	s0 =	rddreg [dreg:$0x0];
	s2 =	stileid.u32  }
0x57: {  	s1 =	rddreg [dreg:$0x1];
	p0 =	sne.s32 s2, $0x0  }
0x58: {  	s3 =	rddreg [dreg:$0x2];
	[bflag:$0x3] =	sbarrier.arrive $0xFFFF;
	s2 =	simm.s32 @!p0 $0x1C01  }
0x59: {  	[timem:s3], [sflag:s2] =	dma.local @!p0 [hbm:s0], s1  }
0x5a: {  	s0 =	simm.s32 @!p0 $0x1  }
0x5b: {  	_ =	swait.ge @!p0 [sflag:s0], s1  }
0x5c: {  	s1 =	ssub.s32 @!p0 $0x0, s1;
	[sflag:s0] =	ssyncset.done @!p0 $0x0  }
0x5d: {  	[sflag:s0] =	ssyncadd.s32 @!p0 s1  }
0x5e: {  	[bflag:$0x3] =	sbarrier.arrive $0xFFFF  }
0x5f: {  	_ =	shalt  }

// kernel: gather_offload_async_start
scs
__scs_entry_jumppad:
0x0: {  	(pc) =	sbr.rel $0x88, $3  }
0x1: {  	(tag) =	ssettag $0x0;
	lr =	simm.s32 $0x1  }
0x2: {  	[smem:$0x3F9A] =	sst lr;
	_ =	strace $0xD0000000  }
0x3: {  	_ = 	snop  }
0x4: {  	_ = 	snop  }
0x5: {  	_ = 	snop  }
0x6: {  	_ = 	snop  }
0x7: {  	_ = 	snop  }
__scs_overlays_trampoline_lowered:
0x8: {  	[smem:$0x3FA9] =	sst s0  }
0x9: {  	[smem:$0x3FAA] =	sst s1  }
0xa: {  	[smem:$0x3FAB] =	sst s2  }
0xb: {  	[smem:$0x3FAC] =	sst s3  }
0xc: {  	[smem:$0x3FAD] =	sst s4  }
0xd: {  	[smem:$0x3FAE] =	sst s5  }
0xe: {  	[smem:$0x3FAF] =	sst s6  }
0xf: {  	[smem:$0x3FB0] =	sst s7  }
0x10: {  	[smem:$0x3FB1] =	sst s8  }
0x11: {  	[smem:$0x3FB2] =	sst s9;
	s0 =	simm.s32 @!p0 $0x0  }
0x12: {  	s1 =	sld [smem:$0x3F98];
	s0 =	simm.s32 @p0 $0x1  }
0x13: {  	[smem:$0x3FB3] =	sst s0;
	s0 =	simm.s32 @!p1 $0x0  }
0x14: {  	s2 =	sld [smem:$0x3F97];
	s0 =	simm.s32 @p1 $0x1  }
0x15: {  	[smem:$0x3FB4] =	sst s0;
	s0 =	simm.s32 @!p2 $0x0  }
0x16: {  	s3 =	sld [smem:$0x3FDB];
	s0 =	simm.s32 @p2 $0x1  }
0x17: {  	s4 =	simm.s32 $0x1BF5;
	[smem:$0x3FB6] =	sst s0  }
0x18: {  	s0 =	sld [smem:$0x3F99];
	_ =	swait.ge [sflag:s4], $0x0  }
0x19: {  	s7 =	sld [smem:$0x3F9A]  }
0x1a: {  	s8 =	sadd.s32 $0xFFFFE003, lr  }
0x1b: {  	s9 =	sadd.s32 $0xFFFFFEF7, lr;
	s5 =	simm.s32 $0xFFFFFFFF;
	p2 =	slt.u32 s8, $0xFFFFF086  }
0x1c: {  	p1 =	slt.u32 s9, $0xF7A;
	s5 =	simm.s32 @!p2 $0x0  }
0x1d: {  	s5 =	simm.s32 @p1 $0x1;
	p0 =	seq.s32 s7, s2  }
0x1e: {  	s7 =	smul.u32 @!p0 $0xF7A, s2;
	p2 =	seq.s32 @!p0 s5, $0x0  }
0x1f: {  	s9 =	smul.u32 $0xF7A, s1;
	s8 =	simm.s32 @!p0 $0x1BF5;
	p2 =	por !p2, p0  }
0x20: {  	[sflag:s8] =	ssyncset.s32 @!p0 $0xFFFFF086;
	s6 =	sadd.s32 @!p0 s3, s7;
	s7 =	simm.s32 @!p0 $0x108  }
0x21: {  	s3 =	sadd.s32 s3, s9;
	s6 =	sadd.s32 @!p0 $0x88, s6;
	s7 =	simm.s32 @p2 $0x1082  }
0x22: {  	[simem:s7], [sflag:s8] =	dma.local @!p0 [hbm:s6], $0xF7A  }
0x23: {  	s9 =	sor.u32 $0xD0000000, s2;
	s6 =	simm.s32 $0x108;
	_ =	swait.ge @!p0 [sflag:s8], $0x0  }
0x24: {  	s3 =	sadd.s32 $0x88, s3;
	s6 =	simm.s32 @!p1 $0x1082;
	[sflag:s4] =	ssyncset.s32 $0xFFFFF086  }
0x25: {  	[simem:s6], [sflag:s4] =	dma.local [hbm:s3], $0xF7A  }
0x26: {  	[smem:$0x3F9A] =	sst s1;
	(tag) =	ssettag s2;
	_ =	strace s9  }
0x27: {  	s1 =	sld [smem:$0x3FAA]  }
0x28: {  	s2 =	sld [smem:$0x3FAB]  }
0x29: {  	s4 =	sld [smem:$0x3FAD]  }
0x2a: {  	p0 =	seq.s32 s5, $0x0;
	s5 =	sld [smem:$0x3FAE]  }
0x2b: {  	s6 =	sld [smem:$0x3FAF]  }
0x2c: {  	s7 =	sld [smem:$0x3FB0]  }
0x2d: {  	s3 =	simm.s32 $0x108;
	s8 =	sld [smem:$0x3FB1]  }
0x2e: {  	s3 =	simm.s32 @!p0 $0x1082;
	s9 =	sld [smem:$0x3FB2]  }
0x2f: {  	lr =	sadd.s32 s0, s3;
	s0 =	sld [smem:$0x3FA9]  }
0x30: {  	s3 =	sld [smem:$0x3FAC]  }
0x31: {  	[smem:$0x3FB5] =	sst s10  }
0x32: {  	s10 =	sld [smem:$0x3FB3];
	_ =	sdelay $0x3  }
0x33: {  	p0 =	seq.s32 s10, $0x1;
	s10 =	sld [smem:$0x3FB5];
	_ =	sdelay $0x3  }
0x34: {  	[smem:$0x3FB5] =	sst s10  }
0x35: {  	s10 =	sld [smem:$0x3FB4];
	_ =	sdelay $0x3  }
0x36: {  	p1 =	seq.s32 s10, $0x1;
	s10 =	sld [smem:$0x3FB5];
	_ =	sdelay $0x3  }
0x37: {  	[smem:$0x3FB5] =	sst s10  }
0x38: {  	s10 =	sld [smem:$0x3FB6]  }
0x39: {  	_ = 	snop;
	(pc) =	sbr.ind lr, $3  }
0x3a: {  	_ = 	snop  }
0x3b: {  	_ = 	snop  }
0x3c: {  	p2 =	seq.s32 s10, $0x1;
	s10 =	sld [smem:$0x3FB5]  }
0x3d: {  	_ =	shalt  }
0x3e: {  	_ =	shalt  }
0x3f: {  	_ =	shalt  }
0x40: {  	_ =	shalt  }
0x41: {  	_ =	shalt  }
0x42: {  	_ =	shalt  }
0x43: {  	_ =	shalt  }
0x44: {  	_ =	shalt  }
0x45: {  	_ =	shalt  }
0x46: {  	_ =	shalt  }
0x47: {  	_ =	shalt  }
0x48: {  	_ =	shalt  }
0x49: {  	_ =	shalt  }
0x4a: {  	_ =	shalt  }
0x4b: {  	_ =	shalt  }
0x4c: {  	_ =	shalt  }
0x4d: {  	_ =	shalt  }
0x4e: {  	_ =	shalt  }
0x4f: {  	_ =	shalt  }
0x50: {  	_ =	shalt  }
0x51: {  	_ =	shalt  }
0x52: {  	_ =	shalt  }
0x53: {  	_ =	shalt  }
0x54: {  	_ =	shalt  }
0x55: {  	_ =	shalt  }
0x56: {  	_ =	shalt  }
0x57: {  	_ =	shalt  }
0x58: {  	_ =	shalt  }
0x59: {  	_ =	shalt  }
0x5a: {  	_ =	shalt  }
0x5b: {  	_ =	shalt  }
0x5c: {  	_ =	shalt  }
0x5d: {  	_ =	shalt  }
0x5e: {  	_ =	shalt  }
0x5f: {  	_ =	shalt  }
0x60: {  	_ =	shalt  }
0x61: {  	_ =	shalt  }
0x62: {  	_ =	shalt  }
0x63: {  	_ =	shalt  }
0x64: {  	_ =	shalt  }
0x65: {  	_ =	shalt  }
0x66: {  	_ =	shalt  }
0x67: {  	_ =	shalt  }
0x68: {  	_ =	shalt  }
0x69: {  	_ =	shalt  }
0x6a: {  	_ =	shalt  }
0x6b: {  	_ =	shalt  }
0x6c: {  	_ =	shalt  }
0x6d: {  	_ =	shalt  }
0x6e: {  	_ =	shalt  }
0x6f: {  	_ =	shalt  }
0x70: {  	_ =	shalt  }
0x71: {  	_ =	shalt  }
0x72: {  	_ =	shalt  }
0x73: {  	_ =	shalt  }
0x74: {  	_ =	shalt  }
0x75: {  	_ =	shalt  }
0x76: {  	_ =	shalt  }
0x77: {  	_ =	shalt  }
0x78: {  	_ =	shalt  }
0x79: {  	_ =	shalt  }
0x7a: {  	_ =	shalt  }
0x7b: {  	_ =	shalt  }
0x7c: {  	_ =	shalt  }
0x7d: {  	_ =	shalt  }
0x7e: {  	_ =	shalt  }
0x7f: {  	_ =	shalt  }
0x80: {  	_ =	shalt  }
0x81: {  	_ =	shalt  }
0x82: {  	_ =	shalt  }
0x83: {  	_ =	shalt  }
0x84: {  	_ =	shalt  }
0x85: {  	_ =	shalt  }
0x86: {  	_ =	shalt  }
0x87: {  	_ =	shalt  }
.Lfunc_end0:
.L_simem_size_0:
called_computation_lowered:
.L_overlay_start_0:
0x88: {  	s2 =	sld [smem:$0x3FD9]  }
0x89: {  	s3 =	sld [smem:$0x3FFE];
	_ =	sdelay $0x1  }
0x8a: {  	s1 =	srdreg.scid  }
0x8b: {  	s0 =	sand.u32 $0x1, s1  }
0x8c: {  	s17 =	sshll.u32 s0, $0xA;
	s2 =	sadd.s32 s3, s2  }
0x8d: {  	s2 =	sadd.s32 s2, s17  }
0x8e: {  	[smem:$0x3FC1] =	sst s2  }
0x8f: {  	_ = 	snop  }
0x90: {  	s2 =	sld [smem:$0x3FD0];
	(tm) =	ssettm $0x1  }
0x91: {  	s18 =	sld [smem:$0x3FFB];
	_ =	sdelay $0x3  }
0x92: {  	_ =	strace s18  }
0x93: {  	s3 =	sld [smem:$0x3FFC];
	_ =	sdelay $0x3  }
0x94: {  	_ =	strace s3  }
0x95: {  	s3 =	sld [smem:$0x3FFD];
	_ =	sdelay $0x3  }
0x96: {  	_ =	strace s3  }
0x97: {  	_ =	strace $0x8FFFFFFF  }
0x98: {  	s19 =	sld [smem:$0x3FDB];
	_ =	sdelay $0x1  }
0x99: {  	s4 =	simm.s32 $_scs_section_size  }
0x9a: {  	s5 =	simm.s32 $_size__tile_overlayer_lowered;
	s6 =	simm.s32 $_tile_overlayer_lowered  }
0x9b: {  	s22 =	simm.s32 $0x1BFF;
	s21 =	sshll.u32 s6, $0x1;
	s3 =	sadd.s32 s4, s19  }
0x9c: {  	s7 =	simm.s32 $0x0;
	s20 =	sshll.u32 s5, $0x1;
	s5 =	sadd.s32 s21, s3  }
0x9d: {  	[timem:s7], [sflag:s22] =	dma.local [hbm:s5], s20  }
0x9e: {  	_ =	swait.ge [sflag:s22], s20  }
0x9f: {  	s4 =	ssub.s32 $0x0, s20;
	[sflag:s22] =	ssyncset.done $0x0  }
0xa0: {  	[sflag:s22] =	ssyncadd.s32 s4;
	_ =	sdelay $0x1  }
0xa1: {  	s23 =	simm.s32 $0x1B8B  }
0xa2: {  	_ =	swait.ge [sflag:s23], $0x1  }
0xa3: {  	[sflag:s23] =	ssyncset.done $0x0  }
0xa4: {  	s25 =	simm.s32 $0x1B8E;
	s24 =	sld [smem:$0x3FFE];
	[sflag:s23] =	ssyncadd.s32 $0xFFFFFFFF  }
0xa5: {  	s26 =	simm.s32 $execute0_lowered;
	[smem:$0x3FD2] =	sst s25  }
0xa6: {  	s5 =	sshll.u32 s26, $0x1;
	_ =	strace $0x80000046;
	[dreg:$0x1] =	wrdreg $0xFFFFFFFF  }
0xa7: {  	s28 =	simm.s32 $_size_execute0_lowered;
	s3 =	sadd.s32 s3, s5;
	[dreg:$0x0] =	wrdreg $0x0  }
0xa8: {  	s5 =	sshll.u32 s28, $0x1;
	[dreg:$0x2] =	wrdreg s3  }
0xa9: {  	[dreg:$0x3] =	wrdreg s5  }
0xaa: {  	[dreg:$0x4] =	wrdreg $0xC0  }
0xab: {  	_ =	task [dreg:s7], $0x5FFFF  }
0xac: {  	[dreg:$0x1] =	wrdreg $0xFFFFFFFF  }
0xad: {  	[dreg:$0x0] =	wrdreg $0x60  }
0xae: {  	[dreg:$0x2] =	wrdreg s2  }
0xaf: {  	[dreg:$0x3] =	wrdreg s24  }
0xb0: {  	[dreg:$0x4] =	wrdreg $0xA  }
0xb1: {  	_ =	task.clear_ibuf [dreg:s7], $0x5FFFF;
	_ =	strace $0x90000046  }
0xb2: {  	s29 =	simm.s32 $0xA;
	_ =	strace $0x80000048  }
0xb3: {  	_ =	swait.ge [sflag:s29], $0x1  }
0xb4: {  	[sflag:s29] =	ssyncadd.s32 $0xFFFFFFFF  }
0xb5: {  	_ =	strace $0x90000048  }
0xb6: {  	_ =	sfence  }
0xb7: {  	s30 =	sld [smem:$0x0];
	_ =	sdelay $0x2  }
0xb8: {  	s31 =	sshll.u32 s1, $0xD;
	s1 =	sshrl.u32 s1, $0x2  }
0xb9: {  	s3 =	sand.u32 $0x4000, s31;
	s1 =	sadd.s32 s1, s30  }
0xba: {  	s0 =	sor.u32 s3, s0;
	s1 =	sshll.u32 s1, $0x11  }
0xbb: {  	s0 =	sor.u32 s1, s0  }
0xbc: {  	s0 =	sadd.s32 $0x8F2B, s0  }
0xbd: {  	[sflag:s0] =	ssyncadd.remote.s32 $0x1  }
0xbe: {  	_ =	sfence.sel $0xFFFF  }
0xbf: {  	[dreg:$0x0] =	wrdreg $0xFFFFFFFF;
	(pc) =	sbr.abs _section_cstart, $3  }
0xc0: {  	[dreg:$0x1] =	wrdreg $0xFFFFFFFF  }
0xc1: {  	_ =	task.clear_ibuf [dreg:s7], $0x2FFFF;
	_ =	strace $0x9FFFFFFF  }
0xc2: {  	(tm) =	ssettm $0x7FFFFFFF  }
0xc3: {  	_ =	shalt  }
tec
execute0_lowered:
.L_overlay_start_1:
0x0: {  	(tag) =	ssettag $0x1  }
0x1: {  	s2 =	rddreg [dreg:$0x0]  }
0x2: {  	s7 =	rddreg [dreg:$0x1]  }
0x3: {  	s0 =	rddreg [dreg:$0x2]  }
0x4: {  	s1 =	srdreg.scid;
	_ =	strace $0x80000047;
	s4 =	simm.s32 $0x1  }
0x5: {  	s9 =	simm.s32 $0x3;
	s12 =	simm.s32 $0x0;
	s5 =	sshll.u32 s1, $0x4  }
.Ltmp0:
0x6: {  	s1 =	stileid.u32;
	s5 =	sand.u32 $0x10, s5;
	(pc) =	sbr.rel .LBB2_1-.Ltmp0, $4  }
0x7: {  	s10 =	simm.s32 $0x0;
	s3 =	sadd.s32 $0x3000, s7;
	s6 =	sor.u32 s1, s5  }
0x8: {  	[sflag:s4] =	ssyncpa.u1 $0x0;
	s5 =	simm.s32 $0x2;
	s6 =	sshll.u32 s6, $0x7  }
0x9: {  	s7 =	sadd.s32 $0x3D3E00, s7;
	[sflag:s5] =	ssyncpa.u1 $0x0;
	s8 =	sadd.s32 $0x80, s6  }
0xa: {  	vm0 =	vmmov $0xff;
	vm1 =	vcmask $0x3F20;
	[sflag:s9] =	ssyncpa.u1 $0x0;
	s9 =	simm.s32 $0x80;
	s11 =	smov.u32 s6  }
.LBB2_9:
0xb: {  	p0 =	seq.s32 s10, $0x2  }
.Ltmp1:
0xc: {  	_ = 	snop;
	(pc) =	sbr.rel @p0 .LBB2_11-.Ltmp1, $1  }
0xd: {  	_ =	sdelay $0x3  }
.LBB2_10:
0xe: {  	s12 =	sadd.s32 $0x80, s11  }
0xf: {  	s13 =	smov.u32 s6;
	p0 =	slt.s32 s12, s8  }
0x10: {  	s13 =	smov.u32 @p0 s12  }
0x11: {  	s10 =	sadd.s32 $0x1, s10;
	s12 =	smov.u32 s11;
	s11 =	smov.u32 s13  }
.LBB2_1:
0x12: {  	p0 =	sne.s32 s10, $0x0  }
.Ltmp2:
0x13: {  	_ = 	snop;
	(pc) =	sbr.rel @!p0 .LBB2_2-.Ltmp2, $1  }
0x14: {  	_ =	sdelay $0x3  }
0x15: {  	s13 =	sand.u32 $0x1, s10  }
0x16: {  	p0 =	seq.s32 s13, $0x0  }
.Ltmp3:
0x17: {  	_ = 	snop;
	(pc) =	sbr.rel @p0 .LBB2_9-.Ltmp3, $1  }
0x18: {  	_ =	sdelay $0x3  }
0x19: {  	_ =	swait.ge [sflag:s5], $0x80  }
0x1a: {  	[sflag:s5] =	ssyncset.done $0x0  }
0x1b: {  	s13 =	simm.s32 $0x0;
	[sflag:s5] =	ssyncadd.s32 $0xFFFFFF80  }
0x1c: {  	v0 =	vld.msk [tilespmem:s13+$0x80 ss:$0x1], $0xffff;
	_ =	sdelay $0x4  }
0x1d: {  	vm2 =	vgt.s32 v0, $0x0  }
0x1e: {  	v0 =	vnsel vm2, $0x0, v0  }
0x1f: {  	v0 =	vmin.u32 v0, $0x1869F  }
0x20: {  	v0 =	vshll.u32 v0, $0x4;
	_ =	sdelay $0x3  }
0x21: {  	s13 =	simm.s32 $0x4100  }
0x22: {  	[tilespmem:s13], [sflag:$0x1] =	stream.indirect_vreg.gather [hbm:s2], $0x80, v0, vm0, $0x38;
	[tilespmem:$0x8100] =	vst v63  }
0x23: {  	s14 =	simm.s32 $0x4500;
	s31 =	simm.s32 $0x10  }
0x24: {  	[tilespmem:s14], [sflag:$0x1] =	stream.indirect_vreg.gather [hbm:s2], $0x80, v0, vm1, $0x38;
	[tilespmem:$0x8100] =	vst v63  }
0x25: {  	s14 =	simm.s32 $0x80;
	v0 =	vld.msk [tilespmem:s31+$0x80 ss:$0x1], $0xffff  }
.LBB2_5:
0x26: {  	p0 =	sne.s32 s14, $0x1C0;
	_ =	sdelay $0x4  }
0x27: {  	vm2 =	vgt.s32 v0, $0x0  }
0x28: {  	v0 =	vnsel vm2, $0x0, v0  }
0x29: {  	v0 =	vmin.u32 v0, $0x1869F  }
0x2a: {  	v0 =	vshll.u32 v0, $0x4;
	_ =	sdelay $0x3  }
.Ltmp4:
0x2b: {  	s13 =	sadd.s32 $0x800, s13;
	(pc) =	sbr.rel @p0 .LBB2_5-.Ltmp4, $4  }
0x2c: {  	[tilespmem:s13], [sflag:$0x1] =	stream.indirect_vreg.gather [hbm:s2], $0x80, v0, vm0, $0x38;
	[tilespmem:$0x8100] =	vst v63  }
0x2d: {  	s15 =	sshra.s32 s14, $0x2;
	s16 =	sadd.s32 $0x400, s13  }
0x2e: {  	[tilespmem:s16], [sflag:$0x1] =	stream.indirect_vreg.gather [hbm:s2], $0x80, v0, vm1, $0x38;
	[tilespmem:$0x8100] =	vst v63  }
0x2f: {  	s14 =	sadd.s32 $0x40, s14;
	v0 =	vld.msk [tilespmem:s15+$0x80 ss:$0x1], $0xffff  }
0x30: {  	_ =	sdelay $0x3  }
0x31: {  	vm2 =	vgt.s32 v0, $0x0  }
0x32: {  	v0 =	vnsel vm2, $0x0, v0  }
0x33: {  	v0 =	vmin.u32 v0, $0x1869F  }
0x34: {  	v0 =	vshll.u32 v0, $0x4;
	_ =	sdelay $0x3  }
0x35: {  	s13 =	sadd.s32 $0x800, s13  }
0x36: {  	[tilespmem:s13], [sflag:$0x1] =	stream.indirect_vreg.gather [hbm:s2], $0x80, v0, vm0, $0x38;
	[tilespmem:$0x8100] =	vst v63  }
0x37: {  	s13 =	sadd.s32 $0x400, s13  }
0x38: {  	[tilespmem:s13], [sflag:$0x1] =	stream.indirect_vreg.gather [hbm:s2], $0x80, v0, vm1, $0x38;
	[tilespmem:$0x8100] =	vst v63  }
0x39: {  	s12 =	sshll.u32 s12, $0x4;
	s14 =	simm.s32 $0x80;
	_ =	swait.ge [sflag:s4], $0x4000  }
0x3a: {  	s15 =	simm.s32 $0x4500;
	s12 =	sadd.s32 s12, s7;
	[sflag:s4] =	ssyncset.done $0x0  }
0x3b: {  	s16 =	sadd.s32 $0x0, s12;
	s13 =	simm.s32 $0x4100;
	[sflag:s4] =	ssyncadd.s32 $0xFFFFC000  }
.LBB2_7:
0x3c: {  	[hbm:s16] =	stream.linear.scatter [tilespmem:s13], [sflag:$0x3], $0x400, $0x38;
	[tilespmem:$0x8100] =	vst v63  }
0x3d: {  	s16 =	smov.u32 s14;
	s13 =	smov.u32 s15;
	p0 =	sne.s32 s14, $0x780  }
.Ltmp5:
0x3e: {  	s14 =	sadd.s32 $0x80, s14;
	(pc) =	sbr.rel @p0 .LBB2_7-.Ltmp5, $2  }
0x3f: {  	_ =	sdelay $0x2  }
0x40: {  	s15 =	sadd.s32 $0x400, s15;
	s16 =	sadd.s32 s16, s12  }
.Ltmp6:
0x41: {  	(pc) =	sbr.rel .LBB2_9-.Ltmp6, $2  }
0x42: {  	_ =	sdelay $0x2  }
0x43: {  	[hbm:s16] =	stream.linear.scatter [tilespmem:s13], [sflag:$0x3], $0x400, $0x38;
	[tilespmem:$0x8100] =	vst v63  }
.LBB2_2:
.Ltmp7:
0x44: {  	(pc) =	sbr.rel .LBB2_10-.Ltmp7, $4  }
0x45: {  	_ = 	snop  }
0x46: {  	s12 =	sshrl.u32 s11, $0x3  }
0x47: {  	s13 =	sand.u32 $0x7, s11;
	s12 =	sadd.s32 s3, s12  }
0x48: {  	[tilespmem:s9], [sflag:$0x2] =	stream.linear.gather [hbm4b:s12+s13], $0x80, $0x38;
	[tilespmem:$0x8100] =	vst v63  }
.LBB2_11:
0x49: {  	s2 =	simm.s32 $0x3  }
0x4a: {  	_ =	swait.ge [sflag:s2], $0x4000  }
0x4b: {  	[sflag:s2] =	ssyncset.done $0x0  }
0x4c: {  	[sflag:s2] =	ssyncadd.s32 $0xFFFFC000  }
0x4d: {  	_ =	sfence.sel $0x180000  }
0x4e: {  	s3 =	simm.s32 $0x2;
	[bflag:$0x0] =	sbarrier.arrive $0xFFFF  }
0x4f: {  	[sflag:s3] =	ssyncpa.u1 $0x1  }
0x50: {  	s31 =	simm.s32 $0x1;
	[sflag:s2] =	ssyncpa.u1 $0x1  }
0x51: {  	[sflag:s31] =	ssyncpa.u1 $0x1  }
0x52: {  	p0 =	sne.s32 s1, $0x0;
	_ =	strace $0x90000047  }
0x53: {  	s0 =	sadd.s32 @!p0 $0x100000, s0;
	[bflag:$0x2] =	sbarrier.arrive $0xFFFF  }
0x54: {  	[sflag:s0] =	ssyncadd.tile.s32 @!p0 $0x1;
	_ =	shalt  }
.Lfunc_end2:
_tile_overlayer_lowered:
.L_overlay_start_2:
0x55: {  	(tag) =	ssettag $0x2  }
0x56: {  	s0 =	rddreg [dreg:$0x0];
	s2 =	stileid.u32  }
0x57: {  	s1 =	rddreg [dreg:$0x1];
	p0 =	sne.s32 s2, $0x0  }
0x58: {  	s3 =	rddreg [dreg:$0x2];
	[bflag:$0x3] =	sbarrier.arrive $0xFFFF;
	s2 =	simm.s32 @!p0 $0x1C01  }
0x59: {  	[timem:s3], [sflag:s2] =	dma.local @!p0 [hbm:s0], s1  }
0x5a: {  	s0 =	simm.s32 @!p0 $0x1  }
0x5b: {  	_ =	swait.ge @!p0 [sflag:s0], s1  }
0x5c: {  	s1 =	ssub.s32 @!p0 $0x0, s1;
	[sflag:s0] =	ssyncset.done @!p0 $0x0  }
0x5d: {  	[sflag:s0] =	ssyncadd.s32 @!p0 s1  }
0x5e: {  	[bflag:$0x3] =	sbarrier.arrive $0xFFFF  }
0x5f: {  	_ =	shalt  }

// kernel: kernel.4.cloned.1.call-start
scs
__scs_entry_jumppad:
0x0: {  	(pc) =	sbr.rel $0x88, $3  }
0x1: {  	(tag) =	ssettag $0x0;
	lr =	simm.s32 $0x1  }
0x2: {  	[smem:$0x3F9A] =	sst lr;
	_ =	strace $0xD0000000  }
0x3: {  	_ = 	snop  }
0x4: {  	_ = 	snop  }
0x5: {  	_ = 	snop  }
0x6: {  	_ = 	snop  }
0x7: {  	_ = 	snop  }
__scs_overlays_trampoline_lowered:
0x8: {  	[smem:$0x3FA9] =	sst s0  }
0x9: {  	[smem:$0x3FAA] =	sst s1  }
0xa: {  	[smem:$0x3FAB] =	sst s2  }
0xb: {  	[smem:$0x3FAC] =	sst s3  }
0xc: {  	[smem:$0x3FAD] =	sst s4  }
0xd: {  	[smem:$0x3FAE] =	sst s5  }
0xe: {  	[smem:$0x3FAF] =	sst s6  }
0xf: {  	[smem:$0x3FB0] =	sst s7  }
0x10: {  	[smem:$0x3FB1] =	sst s8  }
0x11: {  	[smem:$0x3FB2] =	sst s9;
	s0 =	simm.s32 @!p0 $0x0  }
0x12: {  	s1 =	sld [smem:$0x3F98];
	s0 =	simm.s32 @p0 $0x1  }
0x13: {  	[smem:$0x3FB3] =	sst s0;
	s0 =	simm.s32 @!p1 $0x0  }
0x14: {  	s2 =	sld [smem:$0x3F97];
	s0 =	simm.s32 @p1 $0x1  }
0x15: {  	[smem:$0x3FB4] =	sst s0;
	s0 =	simm.s32 @!p2 $0x0  }
0x16: {  	s3 =	sld [smem:$0x3FDB];
	s0 =	simm.s32 @p2 $0x1  }
0x17: {  	s4 =	simm.s32 $0x1BF5;
	[smem:$0x3FB6] =	sst s0  }
0x18: {  	s0 =	sld [smem:$0x3F99];
	_ =	swait.ge [sflag:s4], $0x0  }
0x19: {  	s7 =	sld [smem:$0x3F9A]  }
0x1a: {  	s8 =	sadd.s32 $0xFFFFE003, lr  }
0x1b: {  	s9 =	sadd.s32 $0xFFFFFEF7, lr;
	s5 =	simm.s32 $0xFFFFFFFF;
	p2 =	slt.u32 s8, $0xFFFFF086  }
0x1c: {  	p1 =	slt.u32 s9, $0xF7A;
	s5 =	simm.s32 @!p2 $0x0  }
0x1d: {  	s5 =	simm.s32 @p1 $0x1;
	p0 =	seq.s32 s7, s2  }
0x1e: {  	s7 =	smul.u32 @!p0 $0xF7A, s2;
	p2 =	seq.s32 @!p0 s5, $0x0  }
0x1f: {  	s9 =	smul.u32 $0xF7A, s1;
	s8 =	simm.s32 @!p0 $0x1BF5;
	p2 =	por !p2, p0  }
0x20: {  	[sflag:s8] =	ssyncset.s32 @!p0 $0xFFFFF086;
	s6 =	sadd.s32 @!p0 s3, s7;
	s7 =	simm.s32 @!p0 $0x108  }
0x21: {  	s3 =	sadd.s32 s3, s9;
	s6 =	sadd.s32 @!p0 $0x88, s6;
	s7 =	simm.s32 @p2 $0x1082  }
0x22: {  	[simem:s7], [sflag:s8] =	dma.local @!p0 [hbm:s6], $0xF7A  }
0x23: {  	s9 =	sor.u32 $0xD0000000, s2;
	s6 =	simm.s32 $0x108;
	_ =	swait.ge @!p0 [sflag:s8], $0x0  }
0x24: {  	s3 =	sadd.s32 $0x88, s3;
	s6 =	simm.s32 @!p1 $0x1082;
	[sflag:s4] =	ssyncset.s32 $0xFFFFF086  }
0x25: {  	[simem:s6], [sflag:s4] =	dma.local [hbm:s3], $0xF7A  }
0x26: {  	[smem:$0x3F9A] =	sst s1;
	(tag) =	ssettag s2;
	_ =	strace s9  }
0x27: {  	s1 =	sld [smem:$0x3FAA]  }
0x28: {  	s2 =	sld [smem:$0x3FAB]  }
0x29: {  	s4 =	sld [smem:$0x3FAD]  }
0x2a: {  	p0 =	seq.s32 s5, $0x0;
	s5 =	sld [smem:$0x3FAE]  }
0x2b: {  	s6 =	sld [smem:$0x3FAF]  }
0x2c: {  	s7 =	sld [smem:$0x3FB0]  }
0x2d: {  	s3 =	simm.s32 $0x108;
	s8 =	sld [smem:$0x3FB1]  }
0x2e: {  	s3 =	simm.s32 @!p0 $0x1082;
	s9 =	sld [smem:$0x3FB2]  }
0x2f: {  	lr =	sadd.s32 s0, s3;
	s0 =	sld [smem:$0x3FA9]  }
0x30: {  	s3 =	sld [smem:$0x3FAC]  }
0x31: {  	[smem:$0x3FB5] =	sst s10  }
0x32: {  	s10 =	sld [smem:$0x3FB3];
	_ =	sdelay $0x3  }
0x33: {  	p0 =	seq.s32 s10, $0x1;
	s10 =	sld [smem:$0x3FB5];
	_ =	sdelay $0x3  }
0x34: {  	[smem:$0x3FB5] =	sst s10  }
0x35: {  	s10 =	sld [smem:$0x3FB4];
	_ =	sdelay $0x3  }
0x36: {  	p1 =	seq.s32 s10, $0x1;
	s10 =	sld [smem:$0x3FB5];
	_ =	sdelay $0x3  }
0x37: {  	[smem:$0x3FB5] =	sst s10  }
0x38: {  	s10 =	sld [smem:$0x3FB6]  }
0x39: {  	_ = 	snop;
	(pc) =	sbr.ind lr, $3  }
0x3a: {  	_ = 	snop  }
0x3b: {  	_ = 	snop  }
0x3c: {  	p2 =	seq.s32 s10, $0x1;
	s10 =	sld [smem:$0x3FB5]  }
0x3d: {  	_ =	shalt  }
0x3e: {  	_ =	shalt  }
0x3f: {  	_ =	shalt  }
0x40: {  	_ =	shalt  }
0x41: {  	_ =	shalt  }
0x42: {  	_ =	shalt  }
0x43: {  	_ =	shalt  }
0x44: {  	_ =	shalt  }
0x45: {  	_ =	shalt  }
0x46: {  	_ =	shalt  }
0x47: {  	_ =	shalt  }
0x48: {  	_ =	shalt  }
0x49: {  	_ =	shalt  }
0x4a: {  	_ =	shalt  }
0x4b: {  	_ =	shalt  }
0x4c: {  	_ =	shalt  }
0x4d: {  	_ =	shalt  }
0x4e: {  	_ =	shalt  }
0x4f: {  	_ =	shalt  }
0x50: {  	_ =	shalt  }
0x51: {  	_ =	shalt  }
0x52: {  	_ =	shalt  }
0x53: {  	_ =	shalt  }
0x54: {  	_ =	shalt  }
0x55: {  	_ =	shalt  }
0x56: {  	_ =	shalt  }
0x57: {  	_ =	shalt  }
0x58: {  	_ =	shalt  }
0x59: {  	_ =	shalt  }
0x5a: {  	_ =	shalt  }
0x5b: {  	_ =	shalt  }
0x5c: {  	_ =	shalt  }
0x5d: {  	_ =	shalt  }
0x5e: {  	_ =	shalt  }
0x5f: {  	_ =	shalt  }
0x60: {  	_ =	shalt  }
0x61: {  	_ =	shalt  }
0x62: {  	_ =	shalt  }
0x63: {  	_ =	shalt  }
0x64: {  	_ =	shalt  }
0x65: {  	_ =	shalt  }
0x66: {  	_ =	shalt  }
0x67: {  	_ =	shalt  }
0x68: {  	_ =	shalt  }
0x69: {  	_ =	shalt  }
0x6a: {  	_ =	shalt  }
0x6b: {  	_ =	shalt  }
0x6c: {  	_ =	shalt  }
0x6d: {  	_ =	shalt  }
0x6e: {  	_ =	shalt  }
0x6f: {  	_ =	shalt  }
0x70: {  	_ =	shalt  }
0x71: {  	_ =	shalt  }
0x72: {  	_ =	shalt  }
0x73: {  	_ =	shalt  }
0x74: {  	_ =	shalt  }
0x75: {  	_ =	shalt  }
0x76: {  	_ =	shalt  }
0x77: {  	_ =	shalt  }
0x78: {  	_ =	shalt  }
0x79: {  	_ =	shalt  }
0x7a: {  	_ =	shalt  }
0x7b: {  	_ =	shalt  }
0x7c: {  	_ =	shalt  }
0x7d: {  	_ =	shalt  }
0x7e: {  	_ =	shalt  }
0x7f: {  	_ =	shalt  }
0x80: {  	_ =	shalt  }
0x81: {  	_ =	shalt  }
0x82: {  	_ =	shalt  }
0x83: {  	_ =	shalt  }
0x84: {  	_ =	shalt  }
0x85: {  	_ =	shalt  }
0x86: {  	_ =	shalt  }
0x87: {  	_ =	shalt  }
.Lfunc_end0:
.L_simem_size_0:
called_computation.3_lowered:
.L_overlay_start_0:
0x88: {  	s2 =	sld [smem:$0x3FD9]  }
0x89: {  	s3 =	sld [smem:$0x3FFE];
	_ =	sdelay $0x1  }
0x8a: {  	s1 =	srdreg.scid  }
0x8b: {  	s0 =	sand.u32 $0x1, s1  }
0x8c: {  	s17 =	sshll.u32 s0, $0xA;
	s2 =	sadd.s32 s3, s2  }
0x8d: {  	s2 =	sadd.s32 s2, s17  }
0x8e: {  	[smem:$0x3FC1] =	sst s2  }
0x8f: {  	_ = 	snop  }
0x90: {  	(tm) =	ssettm $0x1  }
0x91: {  	s18 =	sld [smem:$0x3FFB];
	_ =	sdelay $0x3  }
0x92: {  	_ =	strace s18  }
0x93: {  	s2 =	sld [smem:$0x3FFC];
	_ =	sdelay $0x3  }
0x94: {  	_ =	strace s2  }
0x95: {  	s2 =	sld [smem:$0x3FFD];
	_ =	sdelay $0x3  }
0x96: {  	_ =	strace s2  }
0x97: {  	_ =	strace $0x8FFFFFFF  }
0x98: {  	s19 =	sld [smem:$0x3FDB];
	_ =	sdelay $0x1  }
0x99: {  	s20 =	simm.s32 $_scs_section_size  }
0x9a: {  	s4 =	simm.s32 $_size__tile_overlayer_lowered;
	s5 =	simm.s32 $_tile_overlayer_lowered  }
0x9b: {  	s6 =	simm.s32 $0x1BFF;
	s21 =	sshll.u32 s5, $0x1;
	s3 =	sadd.s32 s20, s19  }
0x9c: {  	s22 =	simm.s32 $0x0;
	s4 =	sshll.u32 s4, $0x1;
	s5 =	sadd.s32 s21, s3  }
0x9d: {  	[timem:s22], [sflag:s6] =	dma.local [hbm:s5], s4  }
0x9e: {  	_ =	swait.ge [sflag:s6], s4  }
0x9f: {  	s4 =	ssub.s32 $0x0, s4;
	[sflag:s6] =	ssyncset.done $0x0  }
0xa0: {  	[sflag:s6] =	ssyncadd.s32 s4;
	_ =	sdelay $0x1  }
0xa1: {  	s23 =	simm.s32 $0x1B8B  }
0xa2: {  	_ =	swait.ge [sflag:s23], $0x1  }
0xa3: {  	[sflag:s23] =	ssyncset.done $0x0  }
0xa4: {  	[sflag:s23] =	ssyncadd.s32 $0xFFFFFFFF  }
0xa5: {  	s4 =	sld [smem:$0x0]  }
0xa6: {  	s5 =	sand.u32 $0xFFFFFFFE, s1  }
0xa7: {  	p0 =	sne.s32 s1, s5  }
0xa8: {  	s5 =	sshll.u32 @p0 s5, $0xE  }
0xa9: {  	s5 =	sadd.s32 @p0 $0x11B8D, s5;
	s6 =	sshll.u32 @p0 s4, $0x11  }
0xaa: {  	s5 =	sor.u32 @p0 s6, s5  }
0xab: {  	[sflag:s5] =	ssyncadd.remote.s32 @p0 $0x1;
	_ =	sdelay $0x1  }
0xac: {  	s5 =	simm.s32 @p0 $0x1B8D  }
0xad: {  	_ =	swait.eq @p0 [sflag:s5], $0x1  }
0xae: {  	[sflag:s5] =	ssyncadd.s32 @p0 $0xFFFFFFFF  }
0xaf: {  	s6 =	sshll.u32 @!p0 s1, $0xE  }
0xb0: {  	s6 =	sor.u32 @!p0 $0x4000, s6;
	s5 =	simm.s32 @!p0 $0x1B8D  }
0xb1: {  	s4 =	sshll.u32 @!p0 s4, $0x11;
	s6 =	sadd.s32 @!p0 $0x11B8D, s6;
	_ =	swait.eq @!p0 [sflag:s5], $0x1  }
0xb2: {  	s4 =	sor.u32 @!p0 s4, s6;
	[sflag:s5] =	ssyncadd.s32 @!p0 $0xFFFFFFFF  }
0xb3: {  	s25 =	simm.s32 $0x1B8E;
	s24 =	sld [smem:$0x3FFE];
	[sflag:s4] =	ssyncadd.remote.s32 @!p0 $0x1  }
0xb4: {  	s26 =	simm.s32 $execute0_lowered;
	[smem:$0x3FD2] =	sst s25  }
0xb5: {  	s5 =	sshll.u32 s26, $0x1;
	_ =	strace $0x8000004F;
	[dreg:$0x1] =	wrdreg $0xFFFFFFFF  }
0xb6: {  	s28 =	simm.s32 $_size_execute0_lowered;
	s3 =	sadd.s32 s3, s5;
	[dreg:$0x0] =	wrdreg $0x0  }
0xb7: {  	s5 =	sshll.u32 s28, $0x1;
	[dreg:$0x2] =	wrdreg s3  }
0xb8: {  	[dreg:$0x3] =	wrdreg s5  }
0xb9: {  	[dreg:$0x4] =	wrdreg $0xC0  }
0xba: {  	_ =	task [dreg:s22], $0x5FFFF  }
0xbb: {  	[dreg:$0x1] =	wrdreg $0xFFFFFFFF  }
0xbc: {  	[dreg:$0x0] =	wrdreg $0x60  }
0xbd: {  	[dreg:$0x2] =	wrdreg s24  }
0xbe: {  	[dreg:$0x3] =	wrdreg $0x9  }
0xbf: {  	_ =	task.clear_ibuf [dreg:s22], $0x4FFFF;
	_ =	strace $0x9000004F  }
0xc0: {  	s29 =	simm.s32 $0x9;
	_ =	strace $0x80000051  }
0xc1: {  	_ =	swait.ge [sflag:s29], $0x1  }
0xc2: {  	[sflag:s29] =	ssyncadd.s32 $0xFFFFFFFF  }
0xc3: {  	_ =	strace $0x90000051  }
0xc4: {  	_ =	sfence  }
0xc5: {  	s30 =	sld [smem:$0x0];
	_ =	sdelay $0x2  }
0xc6: {  	s31 =	sshll.u32 s1, $0xD;
	s1 =	sshrl.u32 s1, $0x2  }
0xc7: {  	s4 =	sand.u32 $0x4000, s31;
	s1 =	sadd.s32 s1, s30  }
0xc8: {  	s0 =	sor.u32 s4, s0;
	s1 =	sshll.u32 s1, $0x11  }
0xc9: {  	s0 =	sor.u32 s1, s0  }
0xca: {  	s0 =	sadd.s32 $0x8F2B, s0  }
0xcb: {  	[sflag:s0] =	ssyncadd.remote.s32 $0x1  }
0xcc: {  	_ =	sfence.sel $0xFFFF  }
0xcd: {  	[dreg:$0x0] =	wrdreg $0xFFFFFFFF;
	(pc) =	sbr.abs _section_cstart, $3  }
0xce: {  	[dreg:$0x1] =	wrdreg $0xFFFFFFFF  }
0xcf: {  	_ =	task.clear_ibuf [dreg:s22], $0x2FFFF;
	_ =	strace $0x9FFFFFFF  }
0xd0: {  	(tm) =	ssettm $0x7FFFFFFF  }
0xd1: {  	_ =	shalt  }
tec
execute0_lowered:
.L_overlay_start_1:
0x0: {  	(tag) =	ssettag $0x1  }
0x1: {  	s5 =	rddreg [dreg:$0x0]  }
0x2: {  	s0 =	rddreg [dreg:$0x1];
	s2 =	simm.s32 $0x0  }
0x3: {  	s3 =	srdreg.scid;
	s1 =	stileid.u32;
	s10 =	simm.s32 $0x80  }
0x4: {  	s11 =	simm.s32 $0x4080;
	s12 =	simm.s32 $0x1;
	s13 =	simm.s32 $0x2080  }
0x5: {  	s14 =	simm.s32 $0x0;
	s4 =	sand.u32 $0x1, s3;
	s6 =	sshll.u32 s1, $0x1  }
0x6: {  	[smem:$0x7FF] =	sst s2;
	s3 =	sadd.s32 $0x3D3E00, s5;
	s6 =	sor.u32 s4, s6  }
0x7: {  	_ =	strace $0x80000050;
	s7 =	ssub.s32 $0x2, s4;
	s8 =	sshll.u32 s6, $0xA  }
0x8: {  	s4 =	sadd.s32 $0x310600, s5;
	s9 =	sshrl.u32 s7, $0x1;
	s8 =	sadd.s32 s8, s5  }
0x9: {  	s9 =	ssub.s32 s7, s9;
	s5 =	smul.u32 $0x1900, s6;
	s6 =	sadd.s32 $0x3000, s8  }
0xa: {  	v0 =	vimm.f32 $0.0e+00;
	s7 =	sadd.s32 $0xB000, s8;
	s8 =	smax.u32 s9, $0x1;
	s9 =	simm.s32 $0x2  }
.LBB2_1:
0xb: {  	s15 =	simm.s32 $0x100;
	s16 =	simm.s32 $0x0  }
.LBB2_2:
0xc: {  	p0 =	sne.s32 s15, $0x7F00;
	[tilespmem:s16+$0x20B0] =	vst v0;
	s17 =	smov.u32 s15;
	s15 =	sadd.s32 $0x100, s15  }
.Ltmp0:
0xd: {  	[tilespmem:s16+$0x20A0] =	vst v0;
	(pc) =	sbr.rel @p0 .LBB2_2-.Ltmp0, $3  }
0xe: {  	[tilespmem:s16+$0x2080] =	vst v0  }
0xf: {  	[tilespmem:s16+$0x2090] =	vst v0;
	_ =	sdelay $0x1  }
0x10: {  	s16 =	sshra.s32 s17, $0x2  }
0x11: {  	[tilespmem:s16+$0x20B0] =	vst v0  }
0x12: {  	[tilespmem:s16+$0x20A0] =	vst v0  }
0x13: {  	[tilespmem:s16+$0x2080] =	vst v0  }
0x14: {  	s15 =	simm.s32 $0x0;
	[tilespmem:s16+$0x2090] =	vst v0;
	s16 =	simm.s32 $0x0;
	s17 =	simm.s32 $0x0  }
.LBB2_4:
0x15: {  	s18 =	sshll.u32 s17, $0x7  }
0x16: {  	s18 =	sadd.s32 s5, s18  }
0x17: {  	s18 =	sshrl.u32 s18, $0x3  }
0x18: {  	s18 =	sadd.s32 s3, s18  }
0x19: {  	[tilespmem:s15], [sflag:$0x2] =	stream.linear.gather [hbm4b:s18+s15], $0x80, $0x38;
	[tilespmem:$0x6080] =	vst v63  }
0x1a: {  	_ =	swait.ge [sflag:s9], $0x80  }
0x1b: {  	[sflag:s9] =	ssyncset.done $0x0  }
0x1c: {  	[sflag:s9] =	ssyncadd.s32 $0xFFFFFF80  }
0x1d: {  	[tilespmem:s11], [sflag:$0x1] =	stream.indirect.gather [hbm4b:s4+s10], $0x40, s15, s10, $0xb8;
	[tilespmem:$0x6080] =	vst v63  }
0x1e: {  	_ =	swait.ge [sflag:s12], $0x2000  }
0x1f: {  	[sflag:s12] =	ssyncset.done $0x0  }
0x20: {  	s18 =	simm.s32 $0x40A0;
	[sflag:s12] =	ssyncadd.s32 $0xFFFFE000  }
0x21: {  	s20 =	sadd.s32 $0x0, s16;
	s19 =	simm.s32 $0x1;
	v1 =	vld [tilespmem:s18+$0xFFFFFFE0]  }
.LBB2_5:
0x22: {  	p0 =	sne.s32 s19, $0x7F;
	s20 =	smulhi.u32 $0x51EB851F, s20;
	_ =	sdelay $0x1  }
0x23: {  	s20 =	sshll.u32 s20, $0x2  }
0x24: {  	s20 =	sand.u32 $0x3FFFFFC0, s20  }
0x25: {  	[tilespmem:s20+$0x2080] =	vst.add.f32.msk $0xffff, v1  }
0x26: {  	v1 =	vld [tilespmem:s18+$0xFFFFFFF0];
	_ =	sdelay $0x4  }
0x27: {  	[tilespmem:s20+$0x2090] =	vst.add.f32.msk $0xffff, v1  }
0x28: {  	v1 =	vld [tilespmem:s18+$0x0];
	_ =	sdelay $0x4  }
0x29: {  	[tilespmem:s20+$0x20A0] =	vst.add.f32.msk $0xffff, v1  }
0x2a: {  	v1 =	vld [tilespmem:s18+$0x10];
	_ =	sdelay $0x1  }
.Ltmp1:
0x2b: {  	(pc) =	sbr.rel @p0 .LBB2_5-.Ltmp1, $3  }
0x2c: {  	_ =	sdelay $0x1  }
0x2d: {  	s18 =	sadd.s32 $0x40, s18;
	[tilespmem:s20+$0x20B0] =	vst.add.f32.msk $0xffff, v1  }
0x2e: {  	s20 =	sadd.s32 s19, s16;
	s19 =	sadd.s32 $0x1, s19;
	v1 =	vld [tilespmem:s18+$0xFFFFFFE0]  }
0x2f: {  	s19 =	smulhi.u32 $0x51EB851F, s20;
	_ =	sdelay $0x1  }
0x30: {  	s19 =	sshll.u32 s19, $0x2  }
0x31: {  	s19 =	sand.u32 $0x3FFFFFC0, s19  }
0x32: {  	[tilespmem:s19+$0x2080] =	vst.add.f32.msk $0xffff, v1  }
0x33: {  	v1 =	vld [tilespmem:s18+$0xFFFFFFF0];
	_ =	sdelay $0x4  }
0x34: {  	[tilespmem:s19+$0x2090] =	vst.add.f32.msk $0xffff, v1  }
0x35: {  	v1 =	vld [tilespmem:s18+$0x0];
	_ =	sdelay $0x4  }
0x36: {  	s17 =	sadd.s32 $0x1, s17;
	[tilespmem:s19+$0x20A0] =	vst.add.f32.msk $0xffff, v1  }
0x37: {  	p0 =	sne.s32 s17, $0x32;
	v1 =	vld [tilespmem:s18+$0x10]  }
.Ltmp2:
0x38: {  	_ = 	snop;
	(pc) =	sbr.rel @p0 .LBB2_4-.Ltmp2, $2  }
0x39: {  	_ =	sdelay $0x2  }
0x3a: {  	s16 =	sadd.s32 $0x80, s16;
	[tilespmem:s19+$0x20B0] =	vst.add.f32.msk $0xffff, v1  }
0x3b: {  	s15 =	simm.s32 $0x0  }
0x3c: {  	[tilespmem:s10], [sflag:$0x2] =	stream.linear.gather [hbm4b:s6+s15], $0x2000, $0x38;
	[tilespmem:$0x6080] =	vst v63  }
0x3d: {  	_ =	swait.ge [sflag:s9], $0x2000  }
0x3e: {  	[sflag:s9] =	ssyncset.done $0x0  }
0x3f: {  	s15 =	simm.s32 $0x0;
	[sflag:s9] =	ssyncadd.s32 $0xFFFFE000  }
0x40: {  	v2 =	vld [tilespmem:s15+$0x80]  }
0x41: {  	v1 =	vld [tilespmem:s15+$0x90]  }
0x42: {  	v4 =	vld [tilespmem:s15+$0x2080]  }
0x43: {  	v5 =	vld [tilespmem:s15+$0x2090]  }
0x44: {  	s16 =	simm.s32 $0x100;
	v3 =	vld [tilespmem:s15+$0x20A0]  }
.LBB2_8:
0x45: {  	p0 =	sne.s32 s16, $0x7F00;
	v6 =	vld [tilespmem:s15+$0x20B0]  }
0x46: {  	v7 =	vld [tilespmem:s15+$0xA0]  }
0x47: {  	v4 =	vmul.f32 $1.999999960e-02, v4;
	v8 =	vld [tilespmem:s15+$0xB0]  }
0x48: {  	v5 =	vmul.f32 $1.999999960e-02, v5  }
0x49: {  	s17 =	sshra.s32 s16, $0x2;
	v4 =	vadd.f32 v4, v2;
	v3 =	vmul.f32 $1.999999960e-02, v3  }
.Ltmp3:
0x4a: {  	v2 =	vld [tilespmem:s17+$0x80];
	v5 =	vadd.f32 v5, v1;
	v6 =	vmul.f32 $1.999999960e-02, v6;
	(pc) =	sbr.rel @p0 .LBB2_8-.Ltmp3, $4  }
0x4b: {  	v1 =	vld [tilespmem:s17+$0x90];
	[tilespmem:s15+$0x2080] =	vst v4;
	v3 =	vadd.f32 v3, v7  }
0x4c: {  	v4 =	vld [tilespmem:s17+$0x2080];
	[tilespmem:s15+$0x2090] =	vst v5;
	v6 =	vadd.f32 v6, v8  }
0x4d: {  	v5 =	vld [tilespmem:s17+$0x2090];
	[tilespmem:s15+$0x20A0] =	vst v3  }
0x4e: {  	s16 =	sadd.s32 $0x100, s16;
	v3 =	vld [tilespmem:s17+$0x20A0];
	[tilespmem:s15+$0x20B0] =	vst v6;
	s15 =	smov.u32 s17  }
0x4f: {  	v6 =	vld [tilespmem:s15+$0x20B0]  }
0x50: {  	v7 =	vld [tilespmem:s15+$0xA0]  }
0x51: {  	v8 =	vld [tilespmem:s15+$0xB0];
	v4 =	vmul.f32 $1.999999960e-02, v4  }
0x52: {  	v5 =	vmul.f32 $1.999999960e-02, v5  }
0x53: {  	v2 =	vadd.f32 v4, v2;
	v3 =	vmul.f32 $1.999999960e-02, v3  }
0x54: {  	v1 =	vadd.f32 v5, v1;
	v63 =	vmul.f32 $1.999999960e-02, v6  }
0x55: {  	[tilespmem:s15+$0x2080] =	vst v2;
	v2 =	vadd.f32 v3, v7  }
0x56: {  	s14 =	sadd.s32 $0x1, s14;
	[tilespmem:s15+$0x2090] =	vst v1;
	v1 =	vadd.f32 v63, v8  }
0x57: {  	p0 =	sne.s32 s14, s8;
	[tilespmem:s15+$0x20A0] =	vst v2  }
.Ltmp4:
0x58: {  	[tilespmem:s15+$0x20B0] =	vst v1;
	(pc) =	sbr.rel @p0 .LBB2_1-.Ltmp4, $4  }
0x59: {  	[hbm4b:s7+s2] =	stream.linear.scatter [tilespmem:s13], [sflag:$0x2], $0x2000, $0x38;
	[tilespmem:$0x6080] =	vst v63  }
0x5a: {  	_ =	swait.ge [sflag:s9], $0x2000  }
0x5b: {  	[sflag:s9] =	ssyncset.done $0x0  }
0x5c: {  	[sflag:s9] =	ssyncadd.s32 $0xFFFFE000  }
0x5d: {  	_ =	sfence.sel $0x180000  }
0x5e: {  	[bflag:$0x0] =	sbarrier.arrive $0xFFFF  }
0x5f: {  	p0 =	sne.s32 s1, $0x0;
	_ =	strace $0x90000050  }
0x60: {  	s0 =	sadd.s32 @!p0 $0x100000, s0;
	[bflag:$0x2] =	sbarrier.arrive $0xFFFF  }
0x61: {  	[sflag:s0] =	ssyncadd.tile.s32 @!p0 $0x1;
	_ =	shalt  }
.Lfunc_end2:
_tile_overlayer_lowered:
.L_overlay_start_2:
0x62: {  	(tag) =	ssettag $0x2  }
0x63: {  	s0 =	rddreg [dreg:$0x0];
	s2 =	stileid.u32  }
0x64: {  	s1 =	rddreg [dreg:$0x1];
	p0 =	sne.s32 s2, $0x0  }
0x65: {  	s3 =	rddreg [dreg:$0x2];
	[bflag:$0x3] =	sbarrier.arrive $0xFFFF;
	s2 =	simm.s32 @!p0 $0x1C02  }
0x66: {  	[timem:s3], [sflag:s2] =	dma.local @!p0 [hbm:s0], s1  }
0x67: {  	s0 =	simm.s32 @!p0 $0x2  }
0x68: {  	_ =	swait.ge @!p0 [sflag:s0], s1  }
0x69: {  	s1 =	ssub.s32 @!p0 $0x0, s1;
	[sflag:s0] =	ssyncset.done @!p0 $0x0  }
0x6a: {  	[sflag:s0] =	ssyncadd.s32 @!p0 s1  }
0x6b: {  	[bflag:$0x3] =	sbarrier.arrive $0xFFFF  }
0x6c: {  	_ =	shalt  }

</sc_bundles>
